<compile_context>
chip_gen: v7x
topology: tpu7x:2x2x1
jax: 0.10.2.dev20260603
libtpu: 0.0.44.dev20260713+nightly
codegen_flags: <defaults>
</compile_context>

<pallas_src>
import functools

import jax
import jax.numpy as jnp
from jax import lax
from jax.experimental import pallas as pl
from jax.experimental.pallas import tpu as pltpu
from jax.experimental.pallas import tpu_sc as plsc

N_CLASSES = 1000
N_PER_CLASS = 10
P_TOTAL = N_CLASSES * N_PER_CLASS
C = 384
N = 1024

P_TILE = 2000
GRID = P_TOTAL // P_TILE

NW = 32
B_PAD = 10240
B_PER_W = B_PAD // NW
CHUNK = 80
N_CHUNKS = B_PER_W // CHUNK
IDX_ROWS = B_PAD // CHUNK
ROWS_PER_W = N_CHUNKS
TAIL_W = (P_TOTAL // B_PER_W)
TAIL_ROWS = P_TOTAL - TAIL_W * B_PER_W


def _dist_body(protos_ref, x_ref, sim_ref, dist_ref, idx_ref):
    p = protos_ref[...]
    xm = x_ref[...]
    cross = lax.dot_general(
        p, xm, (((1,), (0,)), ((), ())),
        preferred_element_type=jnp.float32,
    )
    a2 = jnp.sum(xm * xm, axis=0, keepdims=True)
    b2 = jnp.sum(p * p, axis=1, keepdims=True)
    d2 = (a2 + b2) - 2.0 * cross
    d = jnp.sqrt(jnp.maximum(d2, 1e-12))
    dmin = jnp.min(d, axis=1, keepdims=True)
    ii = lax.broadcasted_iota(jnp.int32, d.shape, 1)
    idx = jnp.min(jnp.where(d == dmin, ii, N), axis=1, keepdims=True)
    dist_ref[...] = dmin
    sim_ref[...] = jnp.log((dmin + 1.0) / (dmin + 1e-7))
    idx_ref[...] = idx


_dist_call = pl.pallas_call(
    _dist_body,
    grid=(GRID,),
    in_specs=[
        pl.BlockSpec((P_TILE, C), lambda i: (i, 0)),
        pl.BlockSpec((C, N), lambda i: (0, 0)),
    ],
    out_specs=[
        pl.BlockSpec((P_TILE, 1), lambda i: (i, 0)),
        pl.BlockSpec((P_TILE, 1), lambda i: (i, 0)),
        pl.BlockSpec((P_TILE, 1), lambda i: (i, 0)),
    ],
    out_shape=[
        jax.ShapeDtypeStruct((P_TOTAL, 1), jnp.float32),
        jax.ShapeDtypeStruct((P_TOTAL, 1), jnp.float32),
        jax.ShapeDtypeStruct((P_TOTAL, 1), jnp.int32),
    ],
    compiler_params=pltpu.CompilerParams(
        dimension_semantics=("arbitrary",),
    ),
)


@functools.cache
def _sc_gather_call():
    mesh = plsc.VectorSubcoreMesh(core_axis_name="c", subcore_axis_name="s")

    @functools.partial(
        pl.kernel,
        out_type=jax.ShapeDtypeStruct((P_TOTAL, C), jnp.float32),
        mesh=mesh,
        scratch_types=[
            pltpu.VMEM((ROWS_PER_W, CHUNK), jnp.int32),
            pltpu.VMEM((B_PER_W, C), jnp.float32),
            pltpu.SemaphoreType.DMA,
        ],
    )
    def _sc_gather(table_hbm, idx_hbm, out_hbm, idx_v, rows_v, gsem):
        wid = lax.axis_index("s") * 2 + lax.axis_index("c")
        base = wid * B_PER_W
        pltpu.sync_copy(idx_hbm.at[pl.ds(wid * ROWS_PER_W, ROWS_PER_W)], idx_v)
        gathers = [
            pltpu.async_copy(
                table_hbm.at[idx_v.at[j]],
                rows_v.at[pl.ds(j * CHUNK, CHUNK)],
                gsem,
            )
            for j in range(N_CHUNKS)
        ]
        for g in gathers:
            g.wait()

        @pl.when(wid != TAIL_W)
        def _():
            pltpu.sync_copy(rows_v, out_hbm.at[pl.ds(base, B_PER_W)])

        @pl.when(wid == TAIL_W)
        def _():
            pltpu.sync_copy(
                rows_v.at[pl.ds(0, TAIL_ROWS)],
                out_hbm.at[pl.ds(TAIL_W * B_PER_W, TAIL_ROWS)],
            )

    return _sc_gather


def kernel(x, prototypes):
    xm = x.reshape(C, N)
    protos = prototypes.reshape(P_TOTAL, C)
    sim, dmin, idx = _dist_call(protos, xm)
    xf = xm.T
    idx_pad = jnp.concatenate(
        [idx.reshape(P_TOTAL), jnp.arange(B_PAD - P_TOTAL, dtype=jnp.int32)]
    ).reshape(IDX_ROWS, CHUNK)
    feats = _sc_gather_call()(xf, idx_pad)
    return (
        sim.reshape(1, P_TOTAL),
        dmin.reshape(1, N_CLASSES, N_PER_CLASS),
        feats.reshape(1, P_TOTAL, C),
    )

# --- scband reference (transcript-rebuilt; emitter-appended) ---
"""Pipeline reference for scband-prototype-layer-60756607369251 (READ-ONLY COPY).

The authoritative reference and input builder live on the scoring server;
editing this copy changes nothing except your own understanding.
"""

import jax, jax.numpy as jnp
import numpy as np

NUM_CLASSES = 1000
NUM_PROTOS_PER_CLASS = 10
PROTO_DIM = 384


def setup_inputs(seed: int = 0) -> dict:
    key = jax.random.key(seed)
    k1, k2 = jax.random.split(key)
    x = jax.random.normal(k1, (1, 384, 32, 32), dtype=jnp.float32)
    prototypes = jax.random.normal(k2, (1, NUM_CLASSES * NUM_PROTOS_PER_CLASS, PROTO_DIM), dtype=jnp.float32)
    return {"x": x, "prototypes": prototypes}


def _cdist(a, b):
    # a: [B, N, C], b: [1, P, C]; euclidean distance like torch.cdist(p=2)
    a2 = jnp.sum(a * a, axis=-1)          # [B, N]
    b2 = jnp.sum(b * b, axis=-1)          # [1, P]
    cross = jnp.einsum('bnc,pc->bnp', a, b[0])  # [B, N, P]
    d2 = a2[:, :, None] + b2[:, None, :] - 2.0 * cross
    return jnp.sqrt(jnp.maximum(d2, 1e-12))


def reference(x, prototypes):
    B = x.shape[0]
    xf = x.reshape(B, x.shape[1], -1).transpose(0, 2, 1)  # [B, HW, C]
    distances = _cdist(xf, prototypes)                     # [B, HW, P]
    similarity = jnp.log((distances + 1.0) / (distances + 1e-7))
    max_similarity = jnp.max(similarity, axis=1)           # [B, P]
    min_distances = jnp.min(distances, axis=1)             # [B, P]
    arg_min_distances = jnp.argmin(distances, axis=1)      # [B, P]
    # torch: x[range(len(x)), arg_min] ; with B=1 the batch index broadcasts to zeros
    batch_idx = jnp.broadcast_to(jnp.arange(B), arg_min_distances.shape)
    min_features = xf[batch_idx, arg_min_distances]        # [B, P, C]
    min_distances_per_class = min_distances.reshape(B, NUM_CLASSES, NUM_PROTOS_PER_CLASS)
    return (max_similarity, min_distances_per_class, min_features)

if __name__ == "__main__":
    import jax
    _d = setup_inputs()
    print(jax.jit(kernel)(*tuple(_d.values())))

</pallas_src>

<mosaic_0001>
#map = affine_map<(d0, d1) -> (0, 0)>
module attributes {stable_mosaic.version = 14 : i64} {
  func.func @_sc_gather(%arg0: i32, %arg1: i32, %arg2: memref<1024x384xf32, #tpu.memory_space<hbm>>, %arg3: memref<128x80xi32, #tpu.memory_space<hbm>>, %arg4: memref<10000x384xf32, #tpu.memory_space<hbm>>, %arg5: memref<4x80xi32, #tpu.memory_space<vmem>>, %arg6: memref<320x384xf32, #tpu.memory_space<vmem>>, %arg7: memref<!tpu.dma_semaphore, #tpu.memory_space<semaphore_mem>>) attributes {dimension_semantics = [#tpu.dimension_semantics<core_parallel>, #tpu.dimension_semantics<subcore_parallel>], iteration_bounds = array<i64: 2, 16>, scalar_prefetch = 0 : i64, scratch_operands = 3 : i64, tpu.core_type = #tpu.core_type<sc_vector_subcore>, window_params = [{transform_indices = #map}, {transform_indices = #map}, {transform_indices = #map}]} {
    %mul3A = arith.constant 2 : i32
    %mul3A_0 = arith.muli %arg1, %mul3A : i32
    %add3A = arith.addi %mul3A_0, %arg0 : i32
    %mul3A_1 = arith.constant 320 : i32
    %mul3A_2 = arith.muli %add3A, %mul3A_1 : i32
    %mul3A_3 = arith.constant 4 : i32
    %mul3A_4 = arith.muli %add3A, %mul3A_3 : i32
    "tpu.region"() ({
      %run_scoped3A = tpu.sem_alloc : memref<!tpu.dma_semaphore, #tpu.memory_space<semaphore_mem>>
      %dma_start3A_89 = arith.constant 0 : i32
      %dma_start3A_90 = tpu.memref_slice %arg3[%mul3A_4, %dma_start3A_89] : memref<128x80xi32, #tpu.memory_space<hbm>> -> memref<4x80xi32, #tpu.memory_space<hbm>>
      %dma_start3A_91 = arith.constant 0 : i32
      %dma_start3A_92 = tpu.memref_slice %arg3[%mul3A_4, %dma_start3A_91] : memref<128x80xi32, #tpu.memory_space<hbm>> -> memref<4x80xi32, #tpu.memory_space<hbm>>
      tpu.enqueue_dma source(%dma_start3A_92 : memref<4x80xi32, #tpu.memory_space<hbm>>) target(%arg5 : memref<4x80xi32, #tpu.memory_space<vmem>>) target_semaphore(%run_scoped3A : memref<!tpu.dma_semaphore, #tpu.memory_space<semaphore_mem>>)
      %dma_wait3A_93 = arith.constant 0 : i32
      %dma_wait3A_94 = tpu.memref_slice %arg3[%mul3A_4, %dma_wait3A_93] : memref<128x80xi32, #tpu.memory_space<hbm>> -> memref<4x80xi32, #tpu.memory_space<hbm>>
      %dma_wait3A_95 = arith.constant 0 : i32
      %dma_wait3A_96 = tpu.memref_slice %arg3[%mul3A_4, %dma_wait3A_95] : memref<128x80xi32, #tpu.memory_space<hbm>> -> memref<4x80xi32, #tpu.memory_space<hbm>>
      tpu.wait_dma2 semaphore(%run_scoped3A : memref<!tpu.dma_semaphore, #tpu.memory_space<semaphore_mem>>) src(%dma_wait3A_96 : memref<4x80xi32, #tpu.memory_space<hbm>>) dst(%arg5 : memref<4x80xi32, #tpu.memory_space<vmem>>)
      tpu.yield
    }) : () -> ()
    %dma_start3A = arith.constant 0 : i32
    %dma_start3A_5 = arith.constant 0 : i32
    %dma_start3A_6 = arith.constant 0 : i32
    %dma_start3A_7 = tpu.memref_slice %arg6[%dma_start3A_5, %dma_start3A_6] : memref<320x384xf32, #tpu.memory_space<vmem>> -> memref<80x384xf32, #tpu.memory_space<vmem>>
    %dma_start3A_8 = arith.constant 0 : i32
    %dma_start3A_9 = tpu.memref_slice %arg5[%dma_start3A, %dma_start3A_8] : memref<4x80xi32, #tpu.memory_space<vmem>> -> memref<1x80xi32, #tpu.memory_space<vmem>>
    %dma_start3A_10 = tpu.memref_squeeze %dma_start3A_9 : memref<1x80xi32, #tpu.memory_space<vmem>> -> memref<80xi32, #tpu.memory_space<vmem>>
    %dma_start3A_11 = arith.constant 0 : i32
    %dma_start3A_12 = arith.constant 0 : i32
    %dma_start3A_13 = tpu.memref_slice %arg2[%dma_start3A_11, %dma_start3A_12] : memref<1024x384xf32, #tpu.memory_space<hbm>> -> memref<1024x384xf32, #tpu.memory_space<hbm>>
    tpu.enqueue_indirect_dma source(%dma_start3A_13 : memref<1024x384xf32, #tpu.memory_space<hbm>>) target(%dma_start3A_7 : memref<80x384xf32, #tpu.memory_space<vmem>>) offsets(%dma_start3A_10 : memref<80xi32, #tpu.memory_space<vmem>>) semaphore(%arg7 : memref<!tpu.dma_semaphore, #tpu.memory_space<semaphore_mem>>)
    %dma_start3A_14 = arith.constant 1 : i32
    %dma_start3A_15 = arith.constant 80 : i32
    %dma_start3A_16 = arith.constant 0 : i32
    %dma_start3A_17 = tpu.memref_slice %arg6[%dma_start3A_15, %dma_start3A_16] : memref<320x384xf32, #tpu.memory_space<vmem>> -> memref<80x384xf32, #tpu.memory_space<vmem>>
    %dma_start3A_18 = arith.constant 0 : i32
    %dma_start3A_19 = tpu.memref_slice %arg5[%dma_start3A_14, %dma_start3A_18] : memref<4x80xi32, #tpu.memory_space<vmem>> -> memref<1x80xi32, #tpu.memory_space<vmem>>
    %dma_start3A_20 = tpu.memref_squeeze %dma_start3A_19 : memref<1x80xi32, #tpu.memory_space<vmem>> -> memref<80xi32, #tpu.memory_space<vmem>>
    %dma_start3A_21 = arith.constant 0 : i32
    %dma_start3A_22 = arith.constant 0 : i32
    %dma_start3A_23 = tpu.memref_slice %arg2[%dma_start3A_21, %dma_start3A_22] : memref<1024x384xf32, #tpu.memory_space<hbm>> -> memref<1024x384xf32, #tpu.memory_space<hbm>>
    tpu.enqueue_indirect_dma source(%dma_start3A_23 : memref<1024x384xf32, #tpu.memory_space<hbm>>) target(%dma_start3A_17 : memref<80x384xf32, #tpu.memory_space<vmem>>) offsets(%dma_start3A_20 : memref<80xi32, #tpu.memory_space<vmem>>) semaphore(%arg7 : memref<!tpu.dma_semaphore, #tpu.memory_space<semaphore_mem>>)
    %dma_start3A_24 = arith.constant 2 : i32
    %dma_start3A_25 = arith.constant 160 : i32
    %dma_start3A_26 = arith.constant 0 : i32
    %dma_start3A_27 = tpu.memref_slice %arg6[%dma_start3A_25, %dma_start3A_26] : memref<320x384xf32, #tpu.memory_space<vmem>> -> memref<80x384xf32, #tpu.memory_space<vmem>>
    %dma_start3A_28 = arith.constant 0 : i32
    %dma_start3A_29 = tpu.memref_slice %arg5[%dma_start3A_24, %dma_start3A_28] : memref<4x80xi32, #tpu.memory_space<vmem>> -> memref<1x80xi32, #tpu.memory_space<vmem>>
    %dma_start3A_30 = tpu.memref_squeeze %dma_start3A_29 : memref<1x80xi32, #tpu.memory_space<vmem>> -> memref<80xi32, #tpu.memory_space<vmem>>
    %dma_start3A_31 = arith.constant 0 : i32
    %dma_start3A_32 = arith.constant 0 : i32
    %dma_start3A_33 = tpu.memref_slice %arg2[%dma_start3A_31, %dma_start3A_32] : memref<1024x384xf32, #tpu.memory_space<hbm>> -> memref<1024x384xf32, #tpu.memory_space<hbm>>
    tpu.enqueue_indirect_dma source(%dma_start3A_33 : memref<1024x384xf32, #tpu.memory_space<hbm>>) target(%dma_start3A_27 : memref<80x384xf32, #tpu.memory_space<vmem>>) offsets(%dma_start3A_30 : memref<80xi32, #tpu.memory_space<vmem>>) semaphore(%arg7 : memref<!tpu.dma_semaphore, #tpu.memory_space<semaphore_mem>>)
    %dma_start3A_34 = arith.constant 3 : i32
    %dma_start3A_35 = arith.constant 240 : i32
    %dma_start3A_36 = arith.constant 0 : i32
    %dma_start3A_37 = tpu.memref_slice %arg6[%dma_start3A_35, %dma_start3A_36] : memref<320x384xf32, #tpu.memory_space<vmem>> -> memref<80x384xf32, #tpu.memory_space<vmem>>
    %dma_start3A_38 = arith.constant 0 : i32
    %dma_start3A_39 = tpu.memref_slice %arg5[%dma_start3A_34, %dma_start3A_38] : memref<4x80xi32, #tpu.memory_space<vmem>> -> memref<1x80xi32, #tpu.memory_space<vmem>>
    %dma_start3A_40 = tpu.memref_squeeze %dma_start3A_39 : memref<1x80xi32, #tpu.memory_space<vmem>> -> memref<80xi32, #tpu.memory_space<vmem>>
    %dma_start3A_41 = arith.constant 0 : i32
    %dma_start3A_42 = arith.constant 0 : i32
    %dma_start3A_43 = tpu.memref_slice %arg2[%dma_start3A_41, %dma_start3A_42] : memref<1024x384xf32, #tpu.memory_space<hbm>> -> memref<1024x384xf32, #tpu.memory_space<hbm>>
    tpu.enqueue_indirect_dma source(%dma_start3A_43 : memref<1024x384xf32, #tpu.memory_space<hbm>>) target(%dma_start3A_37 : memref<80x384xf32, #tpu.memory_space<vmem>>) offsets(%dma_start3A_40 : memref<80xi32, #tpu.memory_space<vmem>>) semaphore(%arg7 : memref<!tpu.dma_semaphore, #tpu.memory_space<semaphore_mem>>)
    %dma_wait3A = arith.constant 0 : i32
    %dma_wait3A_44 = arith.constant 0 : i32
    %dma_wait3A_45 = arith.constant 0 : i32
    %dma_wait3A_46 = tpu.memref_slice %arg6[%dma_wait3A_44, %dma_wait3A_45] : memref<320x384xf32, #tpu.memory_space<vmem>> -> memref<80x384xf32, #tpu.memory_space<vmem>>
    %dma_wait3A_47 = arith.constant 0 : i32
    %dma_wait3A_48 = tpu.memref_slice %arg5[%dma_wait3A, %dma_wait3A_47] : memref<4x80xi32, #tpu.memory_space<vmem>> -> memref<1x80xi32, #tpu.memory_space<vmem>>
    %dma_wait3A_49 = tpu.memref_squeeze %dma_wait3A_48 : memref<1x80xi32, #tpu.memory_space<vmem>> -> memref<80xi32, #tpu.memory_space<vmem>>
    %dma_wait3A_50 = arith.constant 0 : i32
    %dma_wait3A_51 = arith.constant 0 : i32
    %dma_wait3A_52 = tpu.memref_slice %arg2[%dma_wait3A_50, %dma_wait3A_51] : memref<1024x384xf32, #tpu.memory_space<hbm>> -> memref<1024x384xf32, #tpu.memory_space<hbm>>
    tpu.wait_indirect_dma semaphore(%arg7 : memref<!tpu.dma_semaphore, #tpu.memory_space<semaphore_mem>>) src(%dma_wait3A_52 : memref<1024x384xf32, #tpu.memory_space<hbm>>) dst(%dma_wait3A_46 : memref<80x384xf32, #tpu.memory_space<vmem>>)
    %dma_wait3A_53 = arith.constant 1 : i32
    %dma_wait3A_54 = arith.constant 80 : i32
    %dma_wait3A_55 = arith.constant 0 : i32
    %dma_wait3A_56 = tpu.memref_slice %arg6[%dma_wait3A_54, %dma_wait3A_55] : memref<320x384xf32, #tpu.memory_space<vmem>> -> memref<80x384xf32, #tpu.memory_space<vmem>>
    %dma_wait3A_57 = arith.constant 0 : i32
    %dma_wait3A_58 = tpu.memref_slice %arg5[%dma_wait3A_53, %dma_wait3A_57] : memref<4x80xi32, #tpu.memory_space<vmem>> -> memref<1x80xi32, #tpu.memory_space<vmem>>
    %dma_wait3A_59 = tpu.memref_squeeze %dma_wait3A_58 : memref<1x80xi32, #tpu.memory_space<vmem>> -> memref<80xi32, #tpu.memory_space<vmem>>
    %dma_wait3A_60 = arith.constant 0 : i32
    %dma_wait3A_61 = arith.constant 0 : i32
    %dma_wait3A_62 = tpu.memref_slice %arg2[%dma_wait3A_60, %dma_wait3A_61] : memref<1024x384xf32, #tpu.memory_space<hbm>> -> memref<1024x384xf32, #tpu.memory_space<hbm>>
    tpu.wait_indirect_dma semaphore(%arg7 : memref<!tpu.dma_semaphore, #tpu.memory_space<semaphore_mem>>) src(%dma_wait3A_62 : memref<1024x384xf32, #tpu.memory_space<hbm>>) dst(%dma_wait3A_56 : memref<80x384xf32, #tpu.memory_space<vmem>>)
    %dma_wait3A_63 = arith.constant 2 : i32
    %dma_wait3A_64 = arith.constant 160 : i32
    %dma_wait3A_65 = arith.constant 0 : i32
    %dma_wait3A_66 = tpu.memref_slice %arg6[%dma_wait3A_64, %dma_wait3A_65] : memref<320x384xf32, #tpu.memory_space<vmem>> -> memref<80x384xf32, #tpu.memory_space<vmem>>
    %dma_wait3A_67 = arith.constant 0 : i32
    %dma_wait3A_68 = tpu.memref_slice %arg5[%dma_wait3A_63, %dma_wait3A_67] : memref<4x80xi32, #tpu.memory_space<vmem>> -> memref<1x80xi32, #tpu.memory_space<vmem>>
    %dma_wait3A_69 = tpu.memref_squeeze %dma_wait3A_68 : memref<1x80xi32, #tpu.memory_space<vmem>> -> memref<80xi32, #tpu.memory_space<vmem>>
    %dma_wait3A_70 = arith.constant 0 : i32
    %dma_wait3A_71 = arith.constant 0 : i32
    %dma_wait3A_72 = tpu.memref_slice %arg2[%dma_wait3A_70, %dma_wait3A_71] : memref<1024x384xf32, #tpu.memory_space<hbm>> -> memref<1024x384xf32, #tpu.memory_space<hbm>>
    tpu.wait_indirect_dma semaphore(%arg7 : memref<!tpu.dma_semaphore, #tpu.memory_space<semaphore_mem>>) src(%dma_wait3A_72 : memref<1024x384xf32, #tpu.memory_space<hbm>>) dst(%dma_wait3A_66 : memref<80x384xf32, #tpu.memory_space<vmem>>)
    %dma_wait3A_73 = arith.constant 3 : i32
    %dma_wait3A_74 = arith.constant 240 : i32
    %dma_wait3A_75 = arith.constant 0 : i32
    %dma_wait3A_76 = tpu.memref_slice %arg6[%dma_wait3A_74, %dma_wait3A_75] : memref<320x384xf32, #tpu.memory_space<vmem>> -> memref<80x384xf32, #tpu.memory_space<vmem>>
    %dma_wait3A_77 = arith.constant 0 : i32
    %dma_wait3A_78 = tpu.memref_slice %arg5[%dma_wait3A_73, %dma_wait3A_77] : memref<4x80xi32, #tpu.memory_space<vmem>> -> memref<1x80xi32, #tpu.memory_space<vmem>>
    %dma_wait3A_79 = tpu.memref_squeeze %dma_wait3A_78 : memref<1x80xi32, #tpu.memory_space<vmem>> -> memref<80xi32, #tpu.memory_space<vmem>>
    %dma_wait3A_80 = arith.constant 0 : i32
    %dma_wait3A_81 = arith.constant 0 : i32
    %dma_wait3A_82 = tpu.memref_slice %arg2[%dma_wait3A_80, %dma_wait3A_81] : memref<1024x384xf32, #tpu.memory_space<hbm>> -> memref<1024x384xf32, #tpu.memory_space<hbm>>
    tpu.wait_indirect_dma semaphore(%arg7 : memref<!tpu.dma_semaphore, #tpu.memory_space<semaphore_mem>>) src(%dma_wait3A_82 : memref<1024x384xf32, #tpu.memory_space<hbm>>) dst(%dma_wait3A_76 : memref<80x384xf32, #tpu.memory_space<vmem>>)
    %ne3A = arith.constant 31 : i32
    %ne3A_83 = arith.cmpi ne, %add3A, %ne3A : i32
    %convert_element_type3A = arith.extui %ne3A_83 : i1 to i32
    %cond3A = arith.constant 0 : i32
    %cond3A_84 = arith.cmpi ne, %convert_element_type3A, %cond3A : i32
    scf.if %cond3A_84 {
      "tpu.region"() ({
        %run_scoped3A = tpu.sem_alloc : memref<!tpu.dma_semaphore, #tpu.memory_space<semaphore_mem>>
        %dma_start3A_89 = arith.constant 0 : i32
        %dma_start3A_90 = tpu.memref_slice %arg4[%mul3A_2, %dma_start3A_89] : memref<10000x384xf32, #tpu.memory_space<hbm>> -> memref<320x384xf32, #tpu.memory_space<hbm>>
        %dma_start3A_91 = arith.constant 0 : i32
        %dma_start3A_92 = tpu.memref_slice %arg4[%mul3A_2, %dma_start3A_91] : memref<10000x384xf32, #tpu.memory_space<hbm>> -> memref<320x384xf32, #tpu.memory_space<hbm>>
        tpu.enqueue_dma source(%arg6 : memref<320x384xf32, #tpu.memory_space<vmem>>) target(%dma_start3A_92 : memref<320x384xf32, #tpu.memory_space<hbm>>) target_semaphore(%run_scoped3A : memref<!tpu.dma_semaphore, #tpu.memory_space<semaphore_mem>>)
        %dma_wait3A_93 = arith.constant 0 : i32
        %dma_wait3A_94 = tpu.memref_slice %arg4[%mul3A_2, %dma_wait3A_93] : memref<10000x384xf32, #tpu.memory_space<hbm>> -> memref<320x384xf32, #tpu.memory_space<hbm>>
        %dma_wait3A_95 = arith.constant 0 : i32
        %dma_wait3A_96 = tpu.memref_slice %arg4[%mul3A_2, %dma_wait3A_95] : memref<10000x384xf32, #tpu.memory_space<hbm>> -> memref<320x384xf32, #tpu.memory_space<hbm>>
        tpu.wait_dma2 semaphore(%run_scoped3A : memref<!tpu.dma_semaphore, #tpu.memory_space<semaphore_mem>>) src(%arg6 : memref<320x384xf32, #tpu.memory_space<vmem>>) dst(%dma_wait3A_96 : memref<320x384xf32, #tpu.memory_space<hbm>>)
        tpu.yield
      }) : () -> ()
    } else {
    }
    %eq3A = arith.constant 31 : i32
    %eq3A_85 = arith.cmpi eq, %add3A, %eq3A : i32
    %convert_element_type3A_86 = arith.extui %eq3A_85 : i1 to i32
    %cond3A_87 = arith.constant 0 : i32
    %cond3A_88 = arith.cmpi ne, %convert_element_type3A_86, %cond3A_87 : i32
    scf.if %cond3A_88 {
      "tpu.region"() ({
        %run_scoped3A = tpu.sem_alloc : memref<!tpu.dma_semaphore, #tpu.memory_space<semaphore_mem>>
        %dma_start3A_89 = arith.constant 0 : i32
        %dma_start3A_90 = arith.constant 0 : i32
        %dma_start3A_91 = tpu.memref_slice %arg6[%dma_start3A_89, %dma_start3A_90] : memref<320x384xf32, #tpu.memory_space<vmem>> -> memref<80x384xf32, #tpu.memory_space<vmem>>
        %dma_start3A_92 = arith.constant 9920 : i32
        %dma_start3A_93 = arith.constant 0 : i32
        %dma_start3A_94 = tpu.memref_slice %arg4[%dma_start3A_92, %dma_start3A_93] : memref<10000x384xf32, #tpu.memory_space<hbm>> -> memref<80x384xf32, #tpu.memory_space<hbm>>
        %dma_start3A_95 = arith.constant 9920 : i32
        %dma_start3A_96 = arith.constant 0 : i32
        %dma_start3A_97 = tpu.memref_slice %arg4[%dma_start3A_95, %dma_start3A_96] : memref<10000x384xf32, #tpu.memory_space<hbm>> -> memref<80x384xf32, #tpu.memory_space<hbm>>
        %dma_start3A_98 = arith.constant 0 : i32
        %dma_start3A_99 = arith.constant 0 : i32
        %dma_start3A_100 = tpu.memref_slice %arg6[%dma_start3A_98, %dma_start3A_99] : memref<320x384xf32, #tpu.memory_space<vmem>> -> memref<80x384xf32, #tpu.memory_space<vmem>>
        tpu.enqueue_dma source(%dma_start3A_100 : memref<80x384xf32, #tpu.memory_space<vmem>>) target(%dma_start3A_97 : memref<80x384xf32, #tpu.memory_space<hbm>>) target_semaphore(%run_scoped3A : memref<!tpu.dma_semaphore, #tpu.memory_space<semaphore_mem>>)
        %dma_wait3A_101 = arith.constant 0 : i32
        %dma_wait3A_102 = arith.constant 0 : i32
        %dma_wait3A_103 = tpu.memref_slice %arg6[%dma_wait3A_101, %dma_wait3A_102] : memref<320x384xf32, #tpu.memory_space<vmem>> -> memref<80x384xf32, #tpu.memory_space<vmem>>
        %dma_wait3A_104 = arith.constant 9920 : i32
        %dma_wait3A_105 = arith.constant 0 : i32
        %dma_wait3A_106 = tpu.memref_slice %arg4[%dma_wait3A_104, %dma_wait3A_105] : memref<10000x384xf32, #tpu.memory_space<hbm>> -> memref<80x384xf32, #tpu.memory_space<hbm>>
        %dma_wait3A_107 = arith.constant 9920 : i32
        %dma_wait3A_108 = arith.constant 0 : i32
        %dma_wait3A_109 = tpu.memref_slice %arg4[%dma_wait3A_107, %dma_wait3A_108] : memref<10000x384xf32, #tpu.memory_space<hbm>> -> memref<80x384xf32, #tpu.memory_space<hbm>>
        %dma_wait3A_110 = arith.constant 0 : i32
        %dma_wait3A_111 = arith.constant 0 : i32
        %dma_wait3A_112 = tpu.memref_slice %arg6[%dma_wait3A_110, %dma_wait3A_111] : memref<320x384xf32, #tpu.memory_space<vmem>> -> memref<80x384xf32, #tpu.memory_space<vmem>>
        tpu.wait_dma2 semaphore(%run_scoped3A : memref<!tpu.dma_semaphore, #tpu.memory_space<semaphore_mem>>) src(%dma_wait3A_112 : memref<80x384xf32, #tpu.memory_space<vmem>>) dst(%dma_wait3A_109 : memref<80x384xf32, #tpu.memory_space<hbm>>)
        tpu.yield
      }) : () -> ()
    } else {
    }
    return
  }
}

module attributes {stable_mosaic.version = 14 : i64} {
  func.func @_dist_body(%arg0: i32, %arg1: memref<2000x384xf32, #tpu.memory_space<vmem>>, %arg2: memref<384x1024xf32, #tpu.memory_space<vmem>>, %arg3: memref<2000x1xf32, #tpu.memory_space<vmem>>, %arg4: memref<2000x1xf32, #tpu.memory_space<vmem>>, %arg5: memref<2000x1xi32, #tpu.memory_space<vmem>>) attributes {dimension_semantics = [#tpu.dimension_semantics<arbitrary>], iteration_bounds = array<i64: 5>, scalar_prefetch = 0 : i64, scratch_operands = 0 : i64, tpu.core_type = #tpu.core_type<tc>, window_params = [{transform_indices = @transform_0, window_bounds = array<i64: 2000, 384>}, {pipeline_mode = #tpu.pipeline_mode<synchronous>, transform_indices = @transform_1, window_bounds = array<i64: 384, 1024>}, {transform_indices = @transform_2, window_bounds = array<i64: 2000, 1>}, {transform_indices = @transform_3, window_bounds = array<i64: 2000, 1>}, {transform_indices = @transform_4, window_bounds = array<i64: 2000, 1>}]} {
    %get3A = arith.constant 0 : index
    %get3A_0 = arith.constant 0 : index
    %get3A_1 = vector.load %arg1[%get3A, %get3A_0] : memref<2000x384xf32, #tpu.memory_space<vmem>>, vector<2000x384xf32>
    %get3A_2 = arith.constant 0 : index
    %get3A_3 = arith.constant 0 : index
    %get3A_4 = vector.load %arg2[%get3A_2, %get3A_3] : memref<384x1024xf32, #tpu.memory_space<vmem>>, vector<384x1024xf32>
    %dot_general3A = arith.constant dense<0.000000e+00> : vector<2000x1024xf32>
    %dot_general3A_5 = tpu.matmul %get3A_1, %get3A_4, %dot_general3A {dimension_numbers = #tpu.dot_dimension_numbers<[1], [0], [0], [1], [0, 0, 1, 1], [], []>, transpose_lhs_hint = false} : vector<2000x384xf32>, vector<384x1024xf32>, vector<2000x1024xf32> -> vector<2000x1024xf32>
    %mul3A = arith.mulf %get3A_4, %get3A_4 : vector<384x1024xf32>
    %reduce_sum3A = arith.constant dense<0.000000e+00> : vector<1024xf32>
    %reduce_sum3A_6 = vector.multi_reduction <add>, %mul3A, %reduce_sum3A [0] : vector<384x1024xf32> to vector<1024xf32>
    %broadcast_in_dim3A = vector.shape_cast %reduce_sum3A_6 : vector<1024xf32> to vector<1x1024xf32>
    %mul3A_7 = arith.mulf %get3A_1, %get3A_1 : vector<2000x384xf32>
    %reduce_sum3A_8 = arith.constant dense<0.000000e+00> : vector<2000xf32>
    %reduce_sum3A_9 = vector.multi_reduction <add>, %mul3A_7, %reduce_sum3A_8 [1] : vector<2000x384xf32> to vector<2000xf32>
    %broadcast_in_dim3A_10 = vector.shape_cast %reduce_sum3A_9 : vector<2000xf32> to vector<2000x1xf32>
    %add3A = vector.broadcast %broadcast_in_dim3A : vector<1x1024xf32> to vector<2000x1024xf32>
    %add3A_11 = vector.broadcast %broadcast_in_dim3A_10 : vector<2000x1xf32> to vector<2000x1024xf32>
    %add3A_12 = arith.addf %add3A, %add3A_11 : vector<2000x1024xf32>
    %mul3A_13 = arith.constant 2.000000e+00 : f32
    %mul3A_14 = vector.broadcast %mul3A_13 : f32 to vector<2000x1024xf32>
    %mul3A_15 = arith.mulf %mul3A_14, %dot_general3A_5 : vector<2000x1024xf32>
    %sub3A = arith.subf %add3A_12, %mul3A_15 : vector<2000x1024xf32>
    %max3A = arith.constant 9.99999996E-13 : f32
    %max3A_16 = vector.broadcast %max3A : f32 to vector<2000x1024xf32>
    %max3A_17 = arith.maximumf %sub3A, %max3A_16 : vector<2000x1024xf32>
    %sqrt3A = math.sqrt %max3A_17 : vector<2000x1024xf32>
    %reduce_min3A = arith.constant dense<0x7F800000> : vector<2000xf32>
    %reduce_min3A_18 = vector.multi_reduction <minimumf>, %sqrt3A, %reduce_min3A [1] : vector<2000x1024xf32> to vector<2000xf32>
    %broadcast_in_dim3A_19 = vector.shape_cast %reduce_min3A_18 : vector<2000xf32> to vector<2000x1xf32>
    %iota3A = tpu.iota {dimensions = array<i32: 1>} : vector<2000x1024xi32>
    %eq3A = vector.broadcast %broadcast_in_dim3A_19 : vector<2000x1xf32> to vector<2000x1024xf32>
    %eq3A_20 = arith.cmpf oeq, %sqrt3A, %eq3A : vector<2000x1024xf32>
    %jit3A = arith.constant 1024 : i32
    %broadcast_in_dim3A_21 = vector.broadcast %jit3A : i32 to vector<2000x1024xi32>
    %select_n3A = arith.select %eq3A_20, %iota3A, %broadcast_in_dim3A_21 : vector<2000x1024xi1>, vector<2000x1024xi32>
    %reduce_min3A_22 = arith.constant dense<2147483647> : vector<2000xi32>
    %reduce_min3A_23 = vector.multi_reduction <minsi>, %select_n3A, %reduce_min3A_22 [1] : vector<2000x1024xi32> to vector<2000xi32>
    %broadcast_in_dim3A_24 = vector.shape_cast %reduce_min3A_23 : vector<2000xi32> to vector<2000x1xi32>
    %swap3A = arith.constant 0 : index
    %swap3A_25 = arith.constant 0 : index
    %swap3A_26 = vector.load %arg4[%swap3A, %swap3A_25] : memref<2000x1xf32, #tpu.memory_space<vmem>>, vector<2000x1xf32>
    tpu.vector_store %arg4[%swap3A, %swap3A_25], %broadcast_in_dim3A_19 {strides = array<i32>} : memref<2000x1xf32, #tpu.memory_space<vmem>>, vector<2000x1xf32>,
    %add3A_27 = arith.constant 1.000000e+00 : f32
    %add3A_28 = vector.broadcast %add3A_27 : f32 to vector<2000x1xf32>
    %add3A_29 = arith.addf %broadcast_in_dim3A_19, %add3A_28 : vector<2000x1xf32>
    %add3A_30 = arith.constant 1.000000e-07 : f32
    %add3A_31 = vector.broadcast %add3A_30 : f32 to vector<2000x1xf32>
    %add3A_32 = arith.addf %broadcast_in_dim3A_19, %add3A_31 : vector<2000x1xf32>
    %div3A = arith.divf %add3A_29, %add3A_32 : vector<2000x1xf32>
    %log3A = math.log %div3A : vector<2000x1xf32>
    %swap3A_33 = arith.constant 0 : index
    %swap3A_34 = arith.constant 0 : index
    %swap3A_35 = vector.load %arg3[%swap3A_33, %swap3A_34] : memref<2000x1xf32, #tpu.memory_space<vmem>>, vector<2000x1xf32>
    tpu.vector_store %arg3[%swap3A_33, %swap3A_34], %log3A {strides = array<i32>} : memref<2000x1xf32, #tpu.memory_space<vmem>>, vector<2000x1xf32>,
    %swap3A_36 = arith.constant 0 : index
    %swap3A_37 = arith.constant 0 : index
    %swap3A_38 = vector.load %arg5[%swap3A_36, %swap3A_37] : memref<2000x1xi32, #tpu.memory_space<vmem>>, vector<2000x1xi32>
    tpu.vector_store %arg5[%swap3A_36, %swap3A_37], %broadcast_in_dim3A_24 {strides = array<i32>} : memref<2000x1xi32, #tpu.memory_space<vmem>>, vector<2000x1xi32>,
    return
  }
  func.func @transform_0(%arg0: i32) -> (i32, i32) {
    %c0_i32 = arith.constant 0 : i32
    %c0_i32_0 = arith.constant 0 : i32
    return %arg0, %c0_i32 : i32, i32
  }
  func.func @transform_1(%arg0: i32) -> (i32, i32) {
    %c0_i32 = arith.constant 0 : i32
    %c0_i32_0 = arith.constant 0 : i32
    %c0_i32_1 = arith.constant 0 : i32
    return %c0_i32, %c0_i32_0 : i32, i32
  }
  func.func @transform_2(%arg0: i32) -> (i32, i32) {
    %c0_i32 = arith.constant 0 : i32
    %c0_i32_0 = arith.constant 0 : i32
    return %arg0, %c0_i32 : i32, i32
  }
  func.func @transform_3(%arg0: i32) -> (i32, i32) {
    %c0_i32 = arith.constant 0 : i32
    %c0_i32_0 = arith.constant 0 : i32
    return %arg0, %c0_i32 : i32, i32
  }
  func.func @transform_4(%arg0: i32) -> (i32, i32) {
    %c0_i32 = arith.constant 0 : i32
    %c0_i32_0 = arith.constant 0 : i32
    return %arg0, %c0_i32 : i32, i32
  }
}

</mosaic_0001>

<sc_bundles>
// kernel: kernel.4.cloned.1.call-start
scs
__scs_entry_jumppad:
0x0: {  	(pc) =	sbr.rel $0x88, $3  }
0x1: {  	(tag) =	ssettag $0x0;
	lr =	simm.s32 $0x1  }
0x2: {  	[smem:$0x3F9F] =	sst lr;
	_ =	strace $0xD0000000  }
0x3: {  	_ = 	snop  }
0x4: {  	_ = 	snop  }
0x5: {  	_ = 	snop  }
0x6: {  	_ = 	snop  }
0x7: {  	_ = 	snop  }
__scs_overlays_trampoline_lowered:
0x8: {  	[smem:$0x3FAE] =	sst s0  }
0x9: {  	[smem:$0x3FAF] =	sst s1  }
0xa: {  	[smem:$0x3FB0] =	sst s2  }
0xb: {  	[smem:$0x3FB1] =	sst s3  }
0xc: {  	[smem:$0x3FB2] =	sst s4  }
0xd: {  	[smem:$0x3FB3] =	sst s5  }
0xe: {  	[smem:$0x3FB4] =	sst s6  }
0xf: {  	[smem:$0x3FB5] =	sst s7  }
0x10: {  	[smem:$0x3FB6] =	sst s8  }
0x11: {  	[smem:$0x3FB7] =	sst s9;
	s0 =	simm.s32 @!p0 $0x0  }
0x12: {  	s1 =	sld [smem:$0x3F9D];
	s0 =	simm.s32 @p0 $0x1  }
0x13: {  	[smem:$0x3FB8] =	sst s0;
	s0 =	simm.s32 @!p1 $0x0  }
0x14: {  	s2 =	sld [smem:$0x3F9C];
	s0 =	simm.s32 @p1 $0x1  }
0x15: {  	[smem:$0x3FB9] =	sst s0;
	s0 =	simm.s32 @!p2 $0x0  }
0x16: {  	s3 =	sld [smem:$0x3FDB];
	s0 =	simm.s32 @p2 $0x1  }
0x17: {  	s4 =	simm.s32 $0x1BF5;
	[smem:$0x3FBB] =	sst s0  }
0x18: {  	s0 =	sld [smem:$0x3F9E];
	_ =	swait.ge [sflag:s4], $0x0  }
0x19: {  	s7 =	sld [smem:$0x3F9F]  }
0x1a: {  	s8 =	sadd.s32 $0xFFFFE003, lr  }
0x1b: {  	s9 =	sadd.s32 $0xFFFFFEF7, lr;
	s5 =	simm.s32 $0xFFFFFFFF;
	p2 =	slt.u32 s8, $0xFFFFF086  }
0x1c: {  	p1 =	slt.u32 s9, $0xF7A;
	s5 =	simm.s32 @!p2 $0x0  }
0x1d: {  	s5 =	simm.s32 @p1 $0x1;
	p0 =	seq.s32 s7, s2  }
0x1e: {  	s7 =	smul.u32 @!p0 $0xF7A, s2;
	p2 =	seq.s32 @!p0 s5, $0x0  }
0x1f: {  	s9 =	smul.u32 $0xF7A, s1;
	s8 =	simm.s32 @!p0 $0x1BF5;
	p2 =	por !p2, p0  }
0x20: {  	[sflag:s8] =	ssyncset.s32 @!p0 $0xFFFFF086;
	s6 =	sadd.s32 @!p0 s3, s7;
	s7 =	simm.s32 @!p0 $0x108  }
0x21: {  	s3 =	sadd.s32 s3, s9;
	s6 =	sadd.s32 @!p0 $0x88, s6;
	s7 =	simm.s32 @p2 $0x1082  }
0x22: {  	[simem:s7], [sflag:s8] =	dma.local @!p0 [hbm:s6], $0xF7A  }
0x23: {  	s9 =	sor.u32 $0xD0000000, s2;
	s6 =	simm.s32 $0x108;
	_ =	swait.ge @!p0 [sflag:s8], $0x0  }
0x24: {  	s3 =	sadd.s32 $0x88, s3;
	s6 =	simm.s32 @!p1 $0x1082;
	[sflag:s4] =	ssyncset.s32 $0xFFFFF086  }
0x25: {  	[simem:s6], [sflag:s4] =	dma.local [hbm:s3], $0xF7A  }
0x26: {  	[smem:$0x3F9F] =	sst s1;
	(tag) =	ssettag s2;
	_ =	strace s9  }
0x27: {  	s1 =	sld [smem:$0x3FAF]  }
0x28: {  	s2 =	sld [smem:$0x3FB0]  }
0x29: {  	s4 =	sld [smem:$0x3FB2]  }
0x2a: {  	p0 =	seq.s32 s5, $0x0;
	s5 =	sld [smem:$0x3FB3]  }
0x2b: {  	s6 =	sld [smem:$0x3FB4]  }
0x2c: {  	s7 =	sld [smem:$0x3FB5]  }
0x2d: {  	s3 =	simm.s32 $0x108;
	s8 =	sld [smem:$0x3FB6]  }
0x2e: {  	s3 =	simm.s32 @!p0 $0x1082;
	s9 =	sld [smem:$0x3FB7]  }
0x2f: {  	lr =	sadd.s32 s0, s3;
	s0 =	sld [smem:$0x3FAE]  }
0x30: {  	s3 =	sld [smem:$0x3FB1]  }
0x31: {  	[smem:$0x3FBA] =	sst s10  }
0x32: {  	s10 =	sld [smem:$0x3FB8];
	_ =	sdelay $0x3  }
0x33: {  	p0 =	seq.s32 s10, $0x1;
	s10 =	sld [smem:$0x3FBA];
	_ =	sdelay $0x3  }
0x34: {  	[smem:$0x3FBA] =	sst s10  }
0x35: {  	s10 =	sld [smem:$0x3FB9];
	_ =	sdelay $0x3  }
0x36: {  	p1 =	seq.s32 s10, $0x1;
	s10 =	sld [smem:$0x3FBA];
	_ =	sdelay $0x3  }
0x37: {  	[smem:$0x3FBA] =	sst s10  }
0x38: {  	s10 =	sld [smem:$0x3FBB]  }
0x39: {  	_ = 	snop;
	(pc) =	sbr.ind lr, $3  }
0x3a: {  	_ = 	snop  }
0x3b: {  	_ = 	snop  }
0x3c: {  	p2 =	seq.s32 s10, $0x1;
	s10 =	sld [smem:$0x3FBA]  }
0x3d: {  	_ =	shalt  }
0x3e: {  	_ =	shalt  }
0x3f: {  	_ =	shalt  }
0x40: {  	_ =	shalt  }
0x41: {  	_ =	shalt  }
0x42: {  	_ =	shalt  }
0x43: {  	_ =	shalt  }
0x44: {  	_ =	shalt  }
0x45: {  	_ =	shalt  }
0x46: {  	_ =	shalt  }
0x47: {  	_ =	shalt  }
0x48: {  	_ =	shalt  }
0x49: {  	_ =	shalt  }
0x4a: {  	_ =	shalt  }
0x4b: {  	_ =	shalt  }
0x4c: {  	_ =	shalt  }
0x4d: {  	_ =	shalt  }
0x4e: {  	_ =	shalt  }
0x4f: {  	_ =	shalt  }
0x50: {  	_ =	shalt  }
0x51: {  	_ =	shalt  }
0x52: {  	_ =	shalt  }
0x53: {  	_ =	shalt  }
0x54: {  	_ =	shalt  }
0x55: {  	_ =	shalt  }
0x56: {  	_ =	shalt  }
0x57: {  	_ =	shalt  }
0x58: {  	_ =	shalt  }
0x59: {  	_ =	shalt  }
0x5a: {  	_ =	shalt  }
0x5b: {  	_ =	shalt  }
0x5c: {  	_ =	shalt  }
0x5d: {  	_ =	shalt  }
0x5e: {  	_ =	shalt  }
0x5f: {  	_ =	shalt  }
0x60: {  	_ =	shalt  }
0x61: {  	_ =	shalt  }
0x62: {  	_ =	shalt  }
0x63: {  	_ =	shalt  }
0x64: {  	_ =	shalt  }
0x65: {  	_ =	shalt  }
0x66: {  	_ =	shalt  }
0x67: {  	_ =	shalt  }
0x68: {  	_ =	shalt  }
0x69: {  	_ =	shalt  }
0x6a: {  	_ =	shalt  }
0x6b: {  	_ =	shalt  }
0x6c: {  	_ =	shalt  }
0x6d: {  	_ =	shalt  }
0x6e: {  	_ =	shalt  }
0x6f: {  	_ =	shalt  }
0x70: {  	_ =	shalt  }
0x71: {  	_ =	shalt  }
0x72: {  	_ =	shalt  }
0x73: {  	_ =	shalt  }
0x74: {  	_ =	shalt  }
0x75: {  	_ =	shalt  }
0x76: {  	_ =	shalt  }
0x77: {  	_ =	shalt  }
0x78: {  	_ =	shalt  }
0x79: {  	_ =	shalt  }
0x7a: {  	_ =	shalt  }
0x7b: {  	_ =	shalt  }
0x7c: {  	_ =	shalt  }
0x7d: {  	_ =	shalt  }
0x7e: {  	_ =	shalt  }
0x7f: {  	_ =	shalt  }
0x80: {  	_ =	shalt  }
0x81: {  	_ =	shalt  }
0x82: {  	_ =	shalt  }
0x83: {  	_ =	shalt  }
0x84: {  	_ =	shalt  }
0x85: {  	_ =	shalt  }
0x86: {  	_ =	shalt  }
0x87: {  	_ =	shalt  }
.Lfunc_end0:
.L_simem_size_0:
called_computation_lowered:
.L_overlay_start_0:
0x88: {  	s2 =	sld [smem:$0x3FD9]  }
0x89: {  	s3 =	sld [smem:$0x3FFE];
	_ =	sdelay $0x1  }
0x8a: {  	s1 =	srdreg.scid  }
0x8b: {  	s0 =	sand.u32 $0x1, s1  }
0x8c: {  	s14 =	sshll.u32 s0, $0xA;
	s2 =	sadd.s32 s3, s2  }
0x8d: {  	s2 =	sadd.s32 s2, s14  }
0x8e: {  	[smem:$0x3FC6] =	sst s2  }
0x8f: {  	_ = 	snop  }
0x90: {  	s2 =	sld [smem:$0x3FD0];
	_ =	sdelay $0x2  }
0x91: {  	s4 =	simm.s32 $0xA;
	s5 =	simm.s32 $0x10;
	s15 =	sld [smem:$0x3FC9]  }
0x92: {  	[smem:s5], [sflag:s4] =	dma.local [hbm:s2], $0x1  }
0x93: {  	_ =	swait.eq [sflag:s4], $0x1  }
0x94: {  	[sflag:s4] =	ssyncset.done $0x0  }
0x95: {  	[sflag:s4] =	ssyncadd.s32 $0xFFFFFFFF  }
0x96: {  	s16 =	sld [smem:$0x12];
	(tm) =	ssettm $0x1  }
0x97: {  	s17 =	sld [smem:$0x3FFB];
	_ =	sdelay $0x3  }
0x98: {  	_ =	strace s17  }
0x99: {  	s4 =	sld [smem:$0x3FFC];
	_ =	sdelay $0x3  }
0x9a: {  	_ =	strace s4  }
0x9b: {  	s4 =	sld [smem:$0x3FFD];
	_ =	sdelay $0x3  }
0x9c: {  	_ =	strace s4  }
0x9d: {  	_ =	strace $0x8FFFFFFF  }
0x9e: {  	s18 =	sld [smem:$0x3FDB];
	_ =	sdelay $0x1  }
0x9f: {  	s19 =	simm.s32 $_scs_section_size  }
0xa0: {  	s6 =	simm.s32 $_size__tile_overlayer_lowered;
	s7 =	simm.s32 $_tile_overlayer_lowered  }
0xa1: {  	s22 =	simm.s32 $0x1BFF;
	s21 =	sshll.u32 s7, $0x1;
	s4 =	sadd.s32 s19, s18  }
0xa2: {  	s8 =	simm.s32 $0x0;
	s20 =	sshll.u32 s6, $0x1;
	s6 =	sadd.s32 s21, s4  }
0xa3: {  	[timem:s8], [sflag:s22] =	dma.local [hbm:s6], s20  }
0xa4: {  	_ =	swait.ge [sflag:s22], s20  }
0xa5: {  	s5 =	ssub.s32 $0x0, s20;
	[sflag:s22] =	ssyncset.done $0x0  }
0xa6: {  	[sflag:s22] =	ssyncadd.s32 s5;
	_ =	sdelay $0x1  }
0xa7: {  	s23 =	simm.s32 $0x1B8B  }
0xa8: {  	_ =	swait.ge [sflag:s23], $0x1  }
0xa9: {  	[sflag:s23] =	ssyncset.done $0x0  }
0xaa: {  	s25 =	simm.s32 $0x1B8E;
	s24 =	sld [smem:$0x3FFE];
	[sflag:s23] =	ssyncadd.s32 $0xFFFFFFFF  }
0xab: {  	s26 =	simm.s32 $execute0_lowered;
	[smem:$0x3FD2] =	sst s25  }
0xac: {  	s6 =	sshll.u32 s26, $0x1;
	_ =	strace $0x80000046;
	[dreg:$0x1] =	wrdreg $0xFFFFFFFF  }
0xad: {  	s28 =	simm.s32 $_size_execute0_lowered;
	s4 =	sadd.s32 s4, s6;
	[dreg:$0x0] =	wrdreg $0x0  }
0xae: {  	s6 =	sshll.u32 s28, $0x1;
	[dreg:$0x2] =	wrdreg s4  }
0xaf: {  	[dreg:$0x3] =	wrdreg s6  }
0xb0: {  	[dreg:$0x4] =	wrdreg $0xC0  }
0xb1: {  	_ =	task [dreg:s8], $0x5FFFF  }
0xb2: {  	[dreg:$0x1] =	wrdreg $0xFFFFFFFF  }
0xb3: {  	[dreg:$0x0] =	wrdreg $0x60  }
0xb4: {  	[dreg:$0x2] =	wrdreg s15  }
0xb5: {  	[dreg:$0x3] =	wrdreg s24  }
0xb6: {  	[dreg:$0x4] =	wrdreg s16  }
0xb7: {  	[dreg:$0x5] =	wrdreg $0x9  }
0xb8: {  	_ =	task.clear_ibuf [dreg:s8], $0x6FFFF;
	_ =	strace $0x90000046  }
0xb9: {  	s29 =	simm.s32 $0x9;
	_ =	strace $0x80000048  }
0xba: {  	_ =	swait.ge [sflag:s29], $0x1  }
0xbb: {  	[sflag:s29] =	ssyncadd.s32 $0xFFFFFFFF  }
0xbc: {  	_ =	strace $0x90000048  }
0xbd: {  	_ =	sfence  }
0xbe: {  	s30 =	sld [smem:$0x0];
	_ =	sdelay $0x2  }
0xbf: {  	s31 =	sshll.u32 s1, $0xD;
	s1 =	sshrl.u32 s1, $0x2  }
0xc0: {  	s3 =	sand.u32 $0x4000, s31;
	s1 =	sadd.s32 s1, s30  }
0xc1: {  	s0 =	sor.u32 s3, s0;
	s1 =	sshll.u32 s1, $0x11  }
0xc2: {  	s0 =	sor.u32 s1, s0  }
0xc3: {  	s0 =	sadd.s32 $0x8F2B, s0  }
0xc4: {  	[sflag:s0] =	ssyncadd.remote.s32 $0x1  }
0xc5: {  	_ =	sfence.sel $0xFFFF  }
0xc6: {  	[dreg:$0x0] =	wrdreg $0xFFFFFFFF;
	(pc) =	sbr.abs _section_cstart, $3  }
0xc7: {  	[dreg:$0x1] =	wrdreg $0xFFFFFFFF  }
0xc8: {  	_ =	task.clear_ibuf [dreg:s8], $0x2FFFF;
	_ =	strace $0x9FFFFFFF  }
0xc9: {  	(tm) =	ssettm $0x7FFFFFFF  }
tec
execute0_lowered:
.L_overlay_start_1:
0x0: {  	(tag) =	ssettag $0x1  }
0x1: {  	s1 =	rddreg [dreg:$0x0]  }
0x2: {  	s5 =	rddreg [dreg:$0x1]  }
0x3: {  	s7 =	rddreg [dreg:$0x2]  }
0x4: {  	s0 =	rddreg [dreg:$0x3];
	s3 =	simm.s32 $0x0  }
0x5: {  	[smem:$0x7FF] =	sst s3;
	s16 =	sadd.s32 $0x74400, s7  }
0x6: {  	s17 =	simm.s32 $0x200;
	_ =	strace $0x80000047;
	[dreg:$0x6] =	wrdreg s16  }
0x7: {  	s18 =	simm.s32 $0xA00;
	[dreg:$0x7] =	wrdreg s17  }
0x8: {  	s19 =	simm.s32 $0xE00;
	[dreg:$0x8] =	wrdreg s18  }
0x9: {  	s20 =	simm.s32 $0x1600;
	[dreg:$0x9] =	wrdreg s19  }
0xa: {  	s21 =	simm.s32 $0x1A00;
	[dreg:$0xa] =	wrdreg s20  }
0xb: {  	s22 =	simm.s32 $0x2200;
	[dreg:$0xb] =	wrdreg s21  }
0xc: {  	s23 =	simm.s32 $0x2600;
	[dreg:$0xc] =	wrdreg s22  }
0xd: {  	s24 =	simm.s32 $0x2E00;
	[dreg:$0xd] =	wrdreg s23  }
0xe: {  	s25 =	simm.s32 $0x3200;
	[dreg:$0xe] =	wrdreg s24  }
0xf: {  	s26 =	simm.s32 $0x3A00;
	[dreg:$0xf] =	wrdreg s25  }
0x10: {  	s28 =	simm.s32 $0x3E00;
	[dreg:$0x10] =	wrdreg s26  }
0x11: {  	s29 =	simm.s32 $0x4600;
	[dreg:$0x11] =	wrdreg s28  }
0x12: {  	s30 =	simm.s32 $0x4A00;
	[dreg:$0x12] =	wrdreg s29  }
0x13: {  	s31 =	simm.s32 $0x5200;
	[dreg:$0x13] =	wrdreg s30  }
0x14: {  	s10 =	simm.s32 $0x6A00;
	[dreg:$0x14] =	wrdreg s31  }
0x15: {  	s11 =	simm.s32 $0x6E00;
	[dreg:$0x18] =	wrdreg s10  }
0x16: {  	s12 =	simm.s32 $0x7600;
	[dreg:$0x19] =	wrdreg s11  }
0x17: {  	s13 =	simm.s32 $0x7A00;
	[dreg:$0x1a] =	wrdreg s12  }
0x18: {  	[dreg:$0x1b] =	wrdreg s13;
	s16 =	simm.s32 $0x8E00  }
0x19: {  	s17 =	simm.s32 $0x9200;
	[dreg:$0x1e] =	wrdreg s16  }
0x1a: {  	s18 =	simm.s32 $0x9A00;
	[dreg:$0x1f] =	wrdreg s17  }
0x1b: {  	s19 =	simm.s32 $0x9E00;
	[smem:$0x7DA] =	sst s18  }
0x1c: {  	s20 =	simm.s32 $0xA600;
	[smem:$0x7DB] =	sst s19  }
0x1d: {  	s21 =	simm.s32 $0xAA00;
	[smem:$0x7DC] =	sst s20  }
0x1e: {  	s22 =	simm.s32 $0xB200;
	[smem:$0x7DD] =	sst s21  }
0x1f: {  	s23 =	simm.s32 $0xB600;
	[smem:$0x7DE] =	sst s22  }
0x20: {  	s24 =	simm.s32 $0xBE00;
	[smem:$0x7DF] =	sst s23  }
0x21: {  	s25 =	simm.s32 $0xC200;
	[smem:$0x7E0] =	sst s24  }
0x22: {  	s26 =	simm.s32 $0xCA00;
	[smem:$0x7E1] =	sst s25  }
0x23: {  	s28 =	simm.s32 $0xCE00;
	[smem:$0x7E2] =	sst s26  }
0x24: {  	s29 =	simm.s32 $0xD600;
	[smem:$0x7E3] =	sst s28  }
0x25: {  	s30 =	simm.s32 $0xDA00;
	[smem:$0x7E4] =	sst s29  }
0x26: {  	s31 =	simm.s32 $0xE200;
	[smem:$0x7E5] =	sst s30  }
0x27: {  	s10 =	simm.s32 $0xFA00;
	[smem:$0x7E6] =	sst s31  }
0x28: {  	s4 =	srdreg.scid;
	s11 =	simm.s32 $0xFE00;
	[smem:$0x7EA] =	sst s10  }
0x29: {  	s4 =	sand.u32 $0x1, s4;
	s12 =	simm.s32 $0x10600;
	[smem:$0x7EB] =	sst s11  }
0x2a: {  	s8 =	sshll.u32 s4, $0x6;
	s13 =	simm.s32 $0x10A00;
	[smem:$0x7EC] =	sst s12  }
0x2b: {  	s5 =	sadd.s32 s5, s8;
	s8 =	simm.s32 $0x5E00;
	[smem:$0x7ED] =	sst s13  }
0x2c: {  	s16 =	simm.s32 $0x11E00;
	[dreg:$0x16] =	wrdreg s8  }
0x2d: {  	s2 =	stileid.u32;
	s17 =	simm.s32 $0x12200;
	[smem:$0x7F0] =	sst s16  }
0x2e: {  	s6 =	sshll.u32 s2, $0x1;
	s18 =	simm.s32 $0x12A00;
	[smem:$0x7F1] =	sst s17  }
0x2f: {  	s9 =	sshll.u32 s2, $0x7;
	s19 =	simm.s32 $0x12E00;
	[smem:$0x7F2] =	sst s18  }
0x30: {  	s6 =	sor.u32 s4, s6;
	s20 =	simm.s32 $0x13600;
	[smem:$0x7F3] =	sst s19  }
0x31: {  	s4 =	ssub.s32 $0x2, s4;
	s21 =	simm.s32 $0x13A00;
	[smem:$0x7F4] =	sst s20  }
0x32: {  	s14 =	smul.u32 $0x3C00, s6;
	s22 =	simm.s32 $0x14200;
	[smem:$0x7F5] =	sst s21  }
0x33: {  	s23 =	simm.s32 $0x14600;
	s24 =	sshrl.u32 s4, $0x1;
	[smem:$0x7F6] =	sst s22  }
0x34: {  	s25 =	simm.s32 $0x14E00;
	s26 =	simm.s32 $0x15200;
	[smem:$0x7F7] =	sst s23  }
0x35: {  	s28 =	simm.s32 $0x15A00;
	s29 =	simm.s32 $0x15E00;
	[smem:$0x7F8] =	sst s25  }
0x36: {  	p0 =	seq.s32 s6, $0x1F;
	s30 =	simm.s32 $0x16600;
	[smem:$0x7F9] =	sst s26  }
0x37: {  	s6 =	simm.s32 $0x2;
	s31 =	simm.s32 $0x16A00;
	[smem:$0x7FA] =	sst s28  }
0x38: {  	s10 =	simm.s32 $0x18200;
	s11 =	simm.s32 $0x18A00;
	[smem:$0x7FB] =	sst s29  }
0x39: {  	s12 =	simm.s32 $0x18E00;
	s13 =	simm.s32 $0x19600;
	[smem:$0x7FC] =	sst s30  }
0x3a: {  	s5 =	sadd.s32 s9, s5;
	s9 =	simm.s32 $0x6200;
	[smem:$0x7FD] =	sst s31  }
0x3b: {  	s8 =	simm.s32 $0xEE00;
	s16 =	simm.s32 $0x1A600;
	[dreg:$0x4] =	wrdreg s5  }
0x3c: {  	s17 =	simm.s32 $0x1AE00;
	s18 =	simm.s32 $0x1B200;
	[dreg:$0x17] =	wrdreg s9  }
0x3d: {  	s19 =	simm.s32 $0x1BA00;
	s15 =	sadd.s32 s7, s14;
	[smem:$0x7E8] =	sst s8  }
0x3e: {  	s20 =	simm.s32 $0x1BE00;
	s7 =	simm.s32 $0x5600;
	[dreg:$0x5] =	wrdreg s15  }
0x3f: {  	s21 =	simm.s32 $0x1C600;
	s14 =	simm.s32 $0x8200;
	[dreg:$0x15] =	wrdreg s7  }
0x40: {  	s22 =	simm.s32 $0x1CA00;
	s9 =	simm.s32 $0xF200;
	[dreg:$0x1c] =	wrdreg s14  }
0x41: {  	s23 =	simm.s32 $0x1D200;
	s15 =	simm.s32 $0x8600;
	[smem:$0x7E9] =	sst s9  }
0x42: {  	s25 =	simm.s32 $0x1DE00;
	s7 =	simm.s32 $0xE600;
	[dreg:$0x1d] =	wrdreg s15  }
0x43: {  	s26 =	simm.s32 $0x1;
	s14 =	simm.s32 $0x11200;
	[smem:$0x7E7] =	sst s7  }
0x44: {  	s8 =	simm.s32 $0x17600;
	s9 =	simm.s32 $0x17E00;
	[smem:$0x7EE] =	sst s14  }
0x45: {  	v2 =	vlaneseq.u32;
	s15 =	simm.s32 $0x11600;
	s7 =	ssub.s32 s4, s24;
	s4 =	sadd.s32 $0x100, s1  }
0x46: {  	vm0 =	vmmov $0xffff;
	vm1 =	vmmov $0xff;
	v1 =	vshrl.u32 v2, $0x3;
	s14 =	simm.s32 $0x19A00;
	s24 =	simm.s32 $0x1D600;
	[smem:$0x7EF] =	sst s15  }
0x47: {  	v0 =	vand.u32 $0x7, v2;
	v2 =	vor.u32 $0x8, v2;
	v1 =	vmul.u32 $0x8, v1;
	s5 =	smax.u32 s7, $0x1;
	s7 =	simm.s32 $0x17200;
	s15 =	simm.s32 $0x1A200  }
.LBB2_1:
0x48: {  	s28 =	rddreg [dreg:$0x4]  }
0x49: {  	[tilespmem:s3], [sflag:$0x2] =	stream.linear.gather [hbm4b:s28+s3], $0x200, $0x38;
	[tilespmem:$0x1E200] =	vst v63  }
0x4a: {  	_ =	swait.ge [sflag:s6], $0x200  }
0x4b: {  	[sflag:s6] =	ssyncset.done $0x0  }
0x4c: {  	[sflag:s6] =	ssyncadd.s32 $0xFFFFFE00  }
0x4d: {  	v3 =	vld [tilespmem:$0x0];
	_ =	sdelay $0x4  }
0x4e: {  	v4 =	vshrl.u32 v3, $0x3  }
0x4f: {  	v4 =	vmul.u32 $0x18, v4  }
0x50: {  	v3 =	vand.u32 $0x7, v3  }
0x51: {  	v3 =	vor.u32 v3, v4  }
0x52: {  	v4 =	vperm.xlane v3, v0;
	_ =	sdelay $0x1  }
0x53: {  	v4 =	vadd.s32 v1, v4;
	_ =	sdelay $0x1  }
0x54: {  	v3 =	vperm.xlane v3, v2;
	_ =	sdelay $0x1  }
0x55: {  	s30 =	rddreg [dreg:$0x7];
	v3 =	vadd.s32 v1, v3  }
0x56: {  	[tilespmem:s30], [sflag:$0x1] =	stream.indirect_vreg.gather [hbm4b:s1+s3], $0x80, v4, vm0, $0xb8;
	[tilespmem:$0x1E200] =	vst v63  }
0x57: {  	s29 =	rddreg [dreg:$0x8]  }
0x58: {  	[tilespmem:s29], [sflag:$0x1] =	stream.indirect_vreg.gather [hbm4b:s4+s3], $0x80, v4, vm1, $0xb8;
	[tilespmem:$0x1E200] =	vst v63  }
0x59: {  	s31 =	rddreg [dreg:$0x9]  }
0x5a: {  	[tilespmem:s31], [sflag:$0x1] =	stream.indirect_vreg.gather [hbm4b:s1+s3], $0x80, v3, vm0, $0xb8;
	[tilespmem:$0x1E200] =	vst v63  }
0x5b: {  	s30 =	rddreg [dreg:$0xa]  }
0x5c: {  	[tilespmem:s30], [sflag:$0x1] =	stream.indirect_vreg.gather [hbm4b:s4+s3], $0x80, v3, vm1, $0xb8;
	[tilespmem:$0x1E200] =	vst v63  }
0x5d: {  	v3 =	vld [tilespmem:$0x10];
	_ =	sdelay $0x4  }
0x5e: {  	v45 =	vshrl.u32 v3, $0x3  }
0x5f: {  	v4 =	vmul.u32 $0x18, v45  }
0x60: {  	v3 =	vand.u32 $0x7, v3  }
0x61: {  	v3 =	vor.u32 v3, v4  }
0x62: {  	v4 =	vperm.xlane v3, v0;
	_ =	sdelay $0x1  }
0x63: {  	v4 =	vadd.s32 v1, v4;
	_ =	sdelay $0x1  }
0x64: {  	v3 =	vperm.xlane v3, v2;
	_ =	sdelay $0x1  }
0x65: {  	s31 =	rddreg [dreg:$0xb];
	v3 =	vadd.s32 v1, v3  }
0x66: {  	[tilespmem:s31], [sflag:$0x1] =	stream.indirect_vreg.gather [hbm4b:s1+s3], $0x80, v4, vm0, $0xb8;
	[tilespmem:$0x1E200] =	vst v63  }
0x67: {  	s30 =	rddreg [dreg:$0xc]  }
0x68: {  	[tilespmem:s30], [sflag:$0x1] =	stream.indirect_vreg.gather [hbm4b:s4+s3], $0x80, v4, vm1, $0xb8;
	[tilespmem:$0x1E200] =	vst v63  }
0x69: {  	s31 =	rddreg [dreg:$0xd]  }
0x6a: {  	[tilespmem:s31], [sflag:$0x1] =	stream.indirect_vreg.gather [hbm4b:s1+s3], $0x80, v3, vm0, $0xb8;
	[tilespmem:$0x1E200] =	vst v63  }
0x6b: {  	s30 =	rddreg [dreg:$0xe]  }
0x6c: {  	[tilespmem:s30], [sflag:$0x1] =	stream.indirect_vreg.gather [hbm4b:s4+s3], $0x80, v3, vm1, $0xb8;
	[tilespmem:$0x1E200] =	vst v63  }
0x6d: {  	v3 =	vld [tilespmem:$0x20];
	_ =	sdelay $0x4  }
0x6e: {  	v46 =	vshrl.u32 v3, $0x3  }
0x6f: {  	v4 =	vmul.u32 $0x18, v46  }
0x70: {  	v3 =	vand.u32 $0x7, v3  }
0x71: {  	v3 =	vor.u32 v3, v4  }
0x72: {  	v4 =	vperm.xlane v3, v0;
	_ =	sdelay $0x1  }
0x73: {  	v4 =	vadd.s32 v1, v4;
	_ =	sdelay $0x1  }
0x74: {  	v3 =	vperm.xlane v3, v2;
	_ =	sdelay $0x1  }
0x75: {  	s31 =	rddreg [dreg:$0xf];
	v3 =	vadd.s32 v1, v3  }
0x76: {  	[tilespmem:s31], [sflag:$0x1] =	stream.indirect_vreg.gather [hbm4b:s1+s3], $0x80, v4, vm0, $0xb8;
	[tilespmem:$0x1E200] =	vst v63  }
0x77: {  	s30 =	rddreg [dreg:$0x10]  }
0x78: {  	[tilespmem:s30], [sflag:$0x1] =	stream.indirect_vreg.gather [hbm4b:s4+s3], $0x80, v4, vm1, $0xb8;
	[tilespmem:$0x1E200] =	vst v63  }
0x79: {  	s31 =	rddreg [dreg:$0x11]  }
0x7a: {  	[tilespmem:s31], [sflag:$0x1] =	stream.indirect_vreg.gather [hbm4b:s1+s3], $0x80, v3, vm0, $0xb8;
	[tilespmem:$0x1E200] =	vst v63  }
0x7b: {  	s30 =	rddreg [dreg:$0x12]  }
0x7c: {  	[tilespmem:s30], [sflag:$0x1] =	stream.indirect_vreg.gather [hbm4b:s4+s3], $0x80, v3, vm1, $0xb8;
	[tilespmem:$0x1E200] =	vst v63  }
0x7d: {  	v3 =	vld [tilespmem:$0x30];
	_ =	sdelay $0x4  }
0x7e: {  	v47 =	vshrl.u32 v3, $0x3  }
0x7f: {  	v4 =	vmul.u32 $0x18, v47  }
0x80: {  	v3 =	vand.u32 $0x7, v3  }
0x81: {  	v3 =	vor.u32 v3, v4  }
0x82: {  	v4 =	vperm.xlane v3, v0;
	_ =	sdelay $0x1  }
0x83: {  	v4 =	vadd.s32 v1, v4;
	_ =	sdelay $0x1  }
0x84: {  	v3 =	vperm.xlane v3, v2;
	_ =	sdelay $0x1  }
0x85: {  	s31 =	rddreg [dreg:$0x13];
	v3 =	vadd.s32 v1, v3  }
0x86: {  	[tilespmem:s31], [sflag:$0x1] =	stream.indirect_vreg.gather [hbm4b:s1+s3], $0x80, v4, vm0, $0xb8;
	[tilespmem:$0x1E200] =	vst v63  }
0x87: {  	s30 =	rddreg [dreg:$0x14]  }
0x88: {  	[tilespmem:s30], [sflag:$0x1] =	stream.indirect_vreg.gather [hbm4b:s4+s3], $0x80, v4, vm1, $0xb8;
	[tilespmem:$0x1E200] =	vst v63  }
0x89: {  	s31 =	rddreg [dreg:$0x15]  }
0x8a: {  	[tilespmem:s31], [sflag:$0x1] =	stream.indirect_vreg.gather [hbm4b:s1+s3], $0x80, v3, vm0, $0xb8;
	[tilespmem:$0x1E200] =	vst v63  }
0x8b: {  	s30 =	rddreg [dreg:$0x16]  }
0x8c: {  	[tilespmem:s30], [sflag:$0x1] =	stream.indirect_vreg.gather [hbm4b:s4+s3], $0x80, v3, vm1, $0xb8;
	[tilespmem:$0x1E200] =	vst v63  }
0x8d: {  	v3 =	vld [tilespmem:$0x40];
	_ =	sdelay $0x4  }
0x8e: {  	v48 =	vshrl.u32 v3, $0x3  }
0x8f: {  	v4 =	vmul.u32 $0x18, v48  }
0x90: {  	v3 =	vand.u32 $0x7, v3  }
0x91: {  	v3 =	vor.u32 v3, v4  }
0x92: {  	v4 =	vperm.xlane v3, v0;
	_ =	sdelay $0x1  }
0x93: {  	v4 =	vadd.s32 v1, v4;
	_ =	sdelay $0x1  }
0x94: {  	v3 =	vperm.xlane v3, v2;
	_ =	sdelay $0x1  }
0x95: {  	s31 =	rddreg [dreg:$0x17];
	v3 =	vadd.s32 v1, v3  }
0x96: {  	[tilespmem:s31], [sflag:$0x1] =	stream.indirect_vreg.gather [hbm4b:s1+s3], $0x80, v4, vm0, $0xb8;
	[tilespmem:$0x1E200] =	vst v63  }
0x97: {  	s30 =	rddreg [dreg:$0x18]  }
0x98: {  	[tilespmem:s30], [sflag:$0x1] =	stream.indirect_vreg.gather [hbm4b:s4+s3], $0x80, v4, vm1, $0xb8;
	[tilespmem:$0x1E200] =	vst v63  }
0x99: {  	s31 =	rddreg [dreg:$0x19]  }
0x9a: {  	[tilespmem:s31], [sflag:$0x1] =	stream.indirect_vreg.gather [hbm4b:s1+s3], $0x80, v3, vm0, $0xb8;
	[tilespmem:$0x1E200] =	vst v63  }
0x9b: {  	s30 =	rddreg [dreg:$0x1a]  }
0x9c: {  	[tilespmem:s30], [sflag:$0x1] =	stream.indirect_vreg.gather [hbm4b:s4+s3], $0x80, v3, vm1, $0xb8;
	[tilespmem:$0x1E200] =	vst v63  }
0x9d: {  	v3 =	vld [tilespmem:$0x80];
	_ =	sdelay $0x4  }
0x9e: {  	v49 =	vshrl.u32 v3, $0x3  }
0x9f: {  	v4 =	vmul.u32 $0x18, v49  }
0xa0: {  	v3 =	vand.u32 $0x7, v3  }
0xa1: {  	v3 =	vor.u32 v3, v4  }
0xa2: {  	v4 =	vperm.xlane v3, v0;
	_ =	sdelay $0x1  }
0xa3: {  	v4 =	vadd.s32 v1, v4;
	_ =	sdelay $0x1  }
0xa4: {  	v3 =	vperm.xlane v3, v2;
	_ =	sdelay $0x1  }
0xa5: {  	s31 =	rddreg [dreg:$0x1b];
	v3 =	vadd.s32 v1, v3  }
0xa6: {  	[tilespmem:s31], [sflag:$0x1] =	stream.indirect_vreg.gather [hbm4b:s1+s3], $0x80, v4, vm0, $0xb8;
	[tilespmem:$0x1E200] =	vst v63  }
0xa7: {  	s30 =	rddreg [dreg:$0x1c]  }
0xa8: {  	[tilespmem:s30], [sflag:$0x1] =	stream.indirect_vreg.gather [hbm4b:s4+s3], $0x80, v4, vm1, $0xb8;
	[tilespmem:$0x1E200] =	vst v63  }
0xa9: {  	s31 =	rddreg [dreg:$0x1d]  }
0xaa: {  	[tilespmem:s31], [sflag:$0x1] =	stream.indirect_vreg.gather [hbm4b:s1+s3], $0x80, v3, vm0, $0xb8;
	[tilespmem:$0x1E200] =	vst v63  }
0xab: {  	s30 =	rddreg [dreg:$0x1e]  }
0xac: {  	[tilespmem:s30], [sflag:$0x1] =	stream.indirect_vreg.gather [hbm4b:s4+s3], $0x80, v3, vm1, $0xb8;
	[tilespmem:$0x1E200] =	vst v63  }
0xad: {  	v3 =	vld [tilespmem:$0x90];
	_ =	sdelay $0x4  }
0xae: {  	v50 =	vshrl.u32 v3, $0x3  }
0xaf: {  	v4 =	vmul.u32 $0x18, v50  }
0xb0: {  	v3 =	vand.u32 $0x7, v3  }
0xb1: {  	v3 =	vor.u32 v3, v4  }
0xb2: {  	v4 =	vperm.xlane v3, v0;
	_ =	sdelay $0x1  }
0xb3: {  	v4 =	vadd.s32 v1, v4;
	_ =	sdelay $0x1  }
0xb4: {  	v3 =	vperm.xlane v3, v2  }
0xb5: {  	s31 =	rddreg [dreg:$0x1f]  }
0xb6: {  	s30 =	sld [smem:$0x7DA];
	v3 =	vadd.s32 v1, v3  }
0xb7: {  	[tilespmem:s31], [sflag:$0x1] =	stream.indirect_vreg.gather [hbm4b:s1+s3], $0x80, v4, vm0, $0xb8;
	[tilespmem:$0x1E200] =	vst v63  }
0xb8: {  	s31 =	sld [smem:$0x7DB]  }
0xb9: {  	[tilespmem:s30], [sflag:$0x1] =	stream.indirect_vreg.gather [hbm4b:s4+s3], $0x80, v4, vm1, $0xb8;
	[tilespmem:$0x1E200] =	vst v63  }
0xba: {  	s30 =	sld [smem:$0x7DC]  }
0xbb: {  	[tilespmem:s31], [sflag:$0x1] =	stream.indirect_vreg.gather [hbm4b:s1+s3], $0x80, v3, vm0, $0xb8;
	[tilespmem:$0x1E200] =	vst v63  }
0xbc: {  	_ = 	snop  }
0xbd: {  	[tilespmem:s30], [sflag:$0x1] =	stream.indirect_vreg.gather [hbm4b:s4+s3], $0x80, v3, vm1, $0xb8;
	[tilespmem:$0x1E200] =	vst v63  }
0xbe: {  	v3 =	vld [tilespmem:$0xA0];
	_ =	sdelay $0x4  }
0xbf: {  	v51 =	vshrl.u32 v3, $0x3  }
0xc0: {  	v4 =	vmul.u32 $0x18, v51  }
0xc1: {  	v3 =	vand.u32 $0x7, v3  }
0xc2: {  	v3 =	vor.u32 v3, v4  }
0xc3: {  	v4 =	vperm.xlane v3, v0;
	_ =	sdelay $0x1  }
0xc4: {  	v4 =	vadd.s32 v1, v4;
	_ =	sdelay $0x1  }
0xc5: {  	s31 =	sld [smem:$0x7DD];
	v3 =	vperm.xlane v3, v2;
	_ =	sdelay $0x1  }
0xc6: {  	s30 =	sld [smem:$0x7DE];
	v3 =	vadd.s32 v1, v3  }
0xc7: {  	[tilespmem:s31], [sflag:$0x1] =	stream.indirect_vreg.gather [hbm4b:s1+s3], $0x80, v4, vm0, $0xb8;
	[tilespmem:$0x1E200] =	vst v63  }
0xc8: {  	s31 =	sld [smem:$0x7DF]  }
0xc9: {  	[tilespmem:s30], [sflag:$0x1] =	stream.indirect_vreg.gather [hbm4b:s4+s3], $0x80, v4, vm1, $0xb8;
	[tilespmem:$0x1E200] =	vst v63  }
0xca: {  	s30 =	sld [smem:$0x7E0]  }
0xcb: {  	[tilespmem:s31], [sflag:$0x1] =	stream.indirect_vreg.gather [hbm4b:s1+s3], $0x80, v3, vm0, $0xb8;
	[tilespmem:$0x1E200] =	vst v63  }
0xcc: {  	_ = 	snop  }
0xcd: {  	[tilespmem:s30], [sflag:$0x1] =	stream.indirect_vreg.gather [hbm4b:s4+s3], $0x80, v3, vm1, $0xb8;
	[tilespmem:$0x1E200] =	vst v63  }
0xce: {  	v3 =	vld [tilespmem:$0xB0];
	_ =	sdelay $0x4  }
0xcf: {  	v52 =	vshrl.u32 v3, $0x3  }
0xd0: {  	v4 =	vmul.u32 $0x18, v52  }
0xd1: {  	v3 =	vand.u32 $0x7, v3  }
0xd2: {  	v3 =	vor.u32 v3, v4  }
0xd3: {  	v4 =	vperm.xlane v3, v0;
	_ =	sdelay $0x1  }
0xd4: {  	v4 =	vadd.s32 v1, v4;
	_ =	sdelay $0x1  }
0xd5: {  	s31 =	sld [smem:$0x7E1];
	v3 =	vperm.xlane v3, v2;
	_ =	sdelay $0x1  }
0xd6: {  	s30 =	sld [smem:$0x7E2];
	v3 =	vadd.s32 v1, v3  }
0xd7: {  	[tilespmem:s31], [sflag:$0x1] =	stream.indirect_vreg.gather [hbm4b:s1+s3], $0x80, v4, vm0, $0xb8;
	[tilespmem:$0x1E200] =	vst v63  }
0xd8: {  	s31 =	sld [smem:$0x7E3]  }
0xd9: {  	[tilespmem:s30], [sflag:$0x1] =	stream.indirect_vreg.gather [hbm4b:s4+s3], $0x80, v4, vm1, $0xb8;
	[tilespmem:$0x1E200] =	vst v63  }
0xda: {  	s30 =	sld [smem:$0x7E4]  }
0xdb: {  	[tilespmem:s31], [sflag:$0x1] =	stream.indirect_vreg.gather [hbm4b:s1+s3], $0x80, v3, vm0, $0xb8;
	[tilespmem:$0x1E200] =	vst v63  }
0xdc: {  	_ = 	snop  }
0xdd: {  	[tilespmem:s30], [sflag:$0x1] =	stream.indirect_vreg.gather [hbm4b:s4+s3], $0x80, v3, vm1, $0xb8;
	[tilespmem:$0x1E200] =	vst v63  }
0xde: {  	v3 =	vld [tilespmem:$0xC0];
	_ =	sdelay $0x4  }
0xdf: {  	v53 =	vshrl.u32 v3, $0x3  }
0xe0: {  	v4 =	vmul.u32 $0x18, v53  }
0xe1: {  	v3 =	vand.u32 $0x7, v3  }
0xe2: {  	v3 =	vor.u32 v3, v4  }
0xe3: {  	v4 =	vperm.xlane v3, v0;
	_ =	sdelay $0x1  }
0xe4: {  	v4 =	vadd.s32 v1, v4;
	_ =	sdelay $0x1  }
0xe5: {  	s31 =	sld [smem:$0x7E5];
	v3 =	vperm.xlane v3, v2;
	_ =	sdelay $0x1  }
0xe6: {  	s30 =	sld [smem:$0x7E6];
	v3 =	vadd.s32 v1, v3  }
0xe7: {  	[tilespmem:s31], [sflag:$0x1] =	stream.indirect_vreg.gather [hbm4b:s1+s3], $0x80, v4, vm0, $0xb8;
	[tilespmem:$0x1E200] =	vst v63  }
0xe8: {  	s31 =	sld [smem:$0x7E7]  }
0xe9: {  	[tilespmem:s30], [sflag:$0x1] =	stream.indirect_vreg.gather [hbm4b:s4+s3], $0x80, v4, vm1, $0xb8;
	[tilespmem:$0x1E200] =	vst v63  }
0xea: {  	s30 =	sld [smem:$0x7E8]  }
0xeb: {  	[tilespmem:s31], [sflag:$0x1] =	stream.indirect_vreg.gather [hbm4b:s1+s3], $0x80, v3, vm0, $0xb8;
	[tilespmem:$0x1E200] =	vst v63  }
0xec: {  	_ = 	snop  }
0xed: {  	[tilespmem:s30], [sflag:$0x1] =	stream.indirect_vreg.gather [hbm4b:s4+s3], $0x80, v3, vm1, $0xb8;
	[tilespmem:$0x1E200] =	vst v63  }
0xee: {  	v3 =	vld [tilespmem:$0x100];
	_ =	sdelay $0x4  }
0xef: {  	v54 =	vshrl.u32 v3, $0x3  }
0xf0: {  	v4 =	vmul.u32 $0x18, v54  }
0xf1: {  	v3 =	vand.u32 $0x7, v3  }
0xf2: {  	v3 =	vor.u32 v3, v4  }
0xf3: {  	v4 =	vperm.xlane v3, v0;
	_ =	sdelay $0x1  }
0xf4: {  	v4 =	vadd.s32 v1, v4;
	_ =	sdelay $0x1  }
0xf5: {  	s31 =	sld [smem:$0x7E9];
	v3 =	vperm.xlane v3, v2;
	_ =	sdelay $0x1  }
0xf6: {  	s30 =	sld [smem:$0x7EA];
	v3 =	vadd.s32 v1, v3  }
0xf7: {  	[tilespmem:s31], [sflag:$0x1] =	stream.indirect_vreg.gather [hbm4b:s1+s3], $0x80, v4, vm0, $0xb8;
	[tilespmem:$0x1E200] =	vst v63  }
0xf8: {  	s31 =	sld [smem:$0x7EB]  }
0xf9: {  	[tilespmem:s30], [sflag:$0x1] =	stream.indirect_vreg.gather [hbm4b:s4+s3], $0x80, v4, vm1, $0xb8;
	[tilespmem:$0x1E200] =	vst v63  }
0xfa: {  	s30 =	sld [smem:$0x7EC]  }
0xfb: {  	[tilespmem:s31], [sflag:$0x1] =	stream.indirect_vreg.gather [hbm4b:s1+s3], $0x80, v3, vm0, $0xb8;
	[tilespmem:$0x1E200] =	vst v63  }
0xfc: {  	_ = 	snop  }
0xfd: {  	[tilespmem:s30], [sflag:$0x1] =	stream.indirect_vreg.gather [hbm4b:s4+s3], $0x80, v3, vm1, $0xb8;
	[tilespmem:$0x1E200] =	vst v63  }
0xfe: {  	v3 =	vld [tilespmem:$0x110];
	_ =	sdelay $0x4  }
0xff: {  	v55 =	vshrl.u32 v3, $0x3  }
0x100: {  	v4 =	vmul.u32 $0x18, v55  }
0x101: {  	v3 =	vand.u32 $0x7, v3  }
0x102: {  	v3 =	vor.u32 v3, v4  }
0x103: {  	v4 =	vperm.xlane v3, v0;
	_ =	sdelay $0x1  }
0x104: {  	v4 =	vadd.s32 v1, v4;
	_ =	sdelay $0x1  }
0x105: {  	s31 =	sld [smem:$0x7ED];
	v3 =	vperm.xlane v3, v2;
	_ =	sdelay $0x1  }
0x106: {  	s30 =	sld [smem:$0x7EE];
	v3 =	vadd.s32 v1, v3  }
0x107: {  	[tilespmem:s31], [sflag:$0x1] =	stream.indirect_vreg.gather [hbm4b:s1+s3], $0x80, v4, vm0, $0xb8;
	[tilespmem:$0x1E200] =	vst v63  }
0x108: {  	s31 =	sld [smem:$0x7EF]  }
0x109: {  	[tilespmem:s30], [sflag:$0x1] =	stream.indirect_vreg.gather [hbm4b:s4+s3], $0x80, v4, vm1, $0xb8;
	[tilespmem:$0x1E200] =	vst v63  }
0x10a: {  	s30 =	sld [smem:$0x7F0]  }
0x10b: {  	[tilespmem:s31], [sflag:$0x1] =	stream.indirect_vreg.gather [hbm4b:s1+s3], $0x80, v3, vm0, $0xb8;
	[tilespmem:$0x1E200] =	vst v63  }
0x10c: {  	_ = 	snop  }
0x10d: {  	[tilespmem:s30], [sflag:$0x1] =	stream.indirect_vreg.gather [hbm4b:s4+s3], $0x80, v3, vm1, $0xb8;
	[tilespmem:$0x1E200] =	vst v63  }
0x10e: {  	v3 =	vld [tilespmem:$0x120];
	_ =	sdelay $0x4  }
0x10f: {  	v56 =	vshrl.u32 v3, $0x3  }
0x110: {  	v4 =	vmul.u32 $0x18, v56  }
0x111: {  	v3 =	vand.u32 $0x7, v3  }
0x112: {  	v3 =	vor.u32 v3, v4  }
0x113: {  	v4 =	vperm.xlane v3, v0;
	_ =	sdelay $0x1  }
0x114: {  	v4 =	vadd.s32 v1, v4;
	_ =	sdelay $0x1  }
0x115: {  	s31 =	sld [smem:$0x7F1];
	v3 =	vperm.xlane v3, v2;
	_ =	sdelay $0x1  }
0x116: {  	s30 =	sld [smem:$0x7F2];
	v3 =	vadd.s32 v1, v3  }
0x117: {  	[tilespmem:s31], [sflag:$0x1] =	stream.indirect_vreg.gather [hbm4b:s1+s3], $0x80, v4, vm0, $0xb8;
	[tilespmem:$0x1E200] =	vst v63  }
0x118: {  	s31 =	sld [smem:$0x7F3]  }
0x119: {  	[tilespmem:s30], [sflag:$0x1] =	stream.indirect_vreg.gather [hbm4b:s4+s3], $0x80, v4, vm1, $0xb8;
	[tilespmem:$0x1E200] =	vst v63  }
0x11a: {  	s30 =	sld [smem:$0x7F4]  }
0x11b: {  	[tilespmem:s31], [sflag:$0x1] =	stream.indirect_vreg.gather [hbm4b:s1+s3], $0x80, v3, vm0, $0xb8;
	[tilespmem:$0x1E200] =	vst v63  }
0x11c: {  	_ = 	snop  }
0x11d: {  	[tilespmem:s30], [sflag:$0x1] =	stream.indirect_vreg.gather [hbm4b:s4+s3], $0x80, v3, vm1, $0xb8;
	[tilespmem:$0x1E200] =	vst v63  }
0x11e: {  	v3 =	vld [tilespmem:$0x130];
	_ =	sdelay $0x4  }
0x11f: {  	v57 =	vshrl.u32 v3, $0x3  }
0x120: {  	v4 =	vmul.u32 $0x18, v57  }
0x121: {  	v3 =	vand.u32 $0x7, v3  }
0x122: {  	v3 =	vor.u32 v3, v4  }
0x123: {  	v4 =	vperm.xlane v3, v0;
	_ =	sdelay $0x1  }
0x124: {  	v4 =	vadd.s32 v1, v4;
	_ =	sdelay $0x1  }
0x125: {  	s31 =	sld [smem:$0x7F5];
	v3 =	vperm.xlane v3, v2;
	_ =	sdelay $0x1  }
0x126: {  	s30 =	sld [smem:$0x7F6];
	v3 =	vadd.s32 v1, v3  }
0x127: {  	[tilespmem:s31], [sflag:$0x1] =	stream.indirect_vreg.gather [hbm4b:s1+s3], $0x80, v4, vm0, $0xb8;
	[tilespmem:$0x1E200] =	vst v63  }
0x128: {  	s31 =	sld [smem:$0x7F7]  }
0x129: {  	[tilespmem:s30], [sflag:$0x1] =	stream.indirect_vreg.gather [hbm4b:s4+s3], $0x80, v4, vm1, $0xb8;
	[tilespmem:$0x1E200] =	vst v63  }
0x12a: {  	s30 =	sld [smem:$0x7F8]  }
0x12b: {  	[tilespmem:s31], [sflag:$0x1] =	stream.indirect_vreg.gather [hbm4b:s1+s3], $0x80, v3, vm0, $0xb8;
	[tilespmem:$0x1E200] =	vst v63  }
0x12c: {  	_ = 	snop  }
0x12d: {  	[tilespmem:s30], [sflag:$0x1] =	stream.indirect_vreg.gather [hbm4b:s4+s3], $0x80, v3, vm1, $0xb8;
	[tilespmem:$0x1E200] =	vst v63  }
0x12e: {  	v3 =	vld [tilespmem:$0x140];
	_ =	sdelay $0x4  }
0x12f: {  	v58 =	vshrl.u32 v3, $0x3  }
0x130: {  	v4 =	vmul.u32 $0x18, v58  }
0x131: {  	v3 =	vand.u32 $0x7, v3  }
0x132: {  	v3 =	vor.u32 v3, v4  }
0x133: {  	v4 =	vperm.xlane v3, v0;
	_ =	sdelay $0x1  }
0x134: {  	v4 =	vadd.s32 v1, v4;
	_ =	sdelay $0x1  }
0x135: {  	s31 =	sld [smem:$0x7F9];
	v3 =	vperm.xlane v3, v2;
	_ =	sdelay $0x1  }
0x136: {  	s30 =	sld [smem:$0x7FA];
	v3 =	vadd.s32 v1, v3  }
0x137: {  	[tilespmem:s31], [sflag:$0x1] =	stream.indirect_vreg.gather [hbm4b:s1+s3], $0x80, v4, vm0, $0xb8;
	[tilespmem:$0x1E200] =	vst v63  }
0x138: {  	s31 =	sld [smem:$0x7FB]  }
0x139: {  	[tilespmem:s30], [sflag:$0x1] =	stream.indirect_vreg.gather [hbm4b:s4+s3], $0x80, v4, vm1, $0xb8;
	[tilespmem:$0x1E200] =	vst v63  }
0x13a: {  	s30 =	sld [smem:$0x7FC]  }
0x13b: {  	[tilespmem:s31], [sflag:$0x1] =	stream.indirect_vreg.gather [hbm4b:s1+s3], $0x80, v3, vm0, $0xb8;
	[tilespmem:$0x1E200] =	vst v63  }
0x13c: {  	_ = 	snop  }
0x13d: {  	[tilespmem:s30], [sflag:$0x1] =	stream.indirect_vreg.gather [hbm4b:s4+s3], $0x80, v3, vm1, $0xb8;
	[tilespmem:$0x1E200] =	vst v63  }
0x13e: {  	v3 =	vld [tilespmem:$0x180];
	_ =	sdelay $0x4  }
0x13f: {  	v59 =	vshrl.u32 v3, $0x3  }
0x140: {  	v4 =	vmul.u32 $0x18, v59  }
0x141: {  	v3 =	vand.u32 $0x7, v3  }
0x142: {  	v3 =	vor.u32 v3, v4  }
0x143: {  	v4 =	vperm.xlane v3, v0;
	_ =	sdelay $0x1  }
0x144: {  	v4 =	vadd.s32 v1, v4;
	_ =	sdelay $0x1  }
0x145: {  	s31 =	sld [smem:$0x7FD];
	v3 =	vperm.xlane v3, v2;
	_ =	sdelay $0x1  }
0x146: {  	v3 =	vadd.s32 v1, v3  }
0x147: {  	[tilespmem:s31], [sflag:$0x1] =	stream.indirect_vreg.gather [hbm4b:s1+s3], $0x80, v4, vm0, $0xb8;
	[tilespmem:$0x1E200] =	vst v63  }
0x148: {  	_ = 	snop  }
0x149: {  	[tilespmem:s7], [sflag:$0x1] =	stream.indirect_vreg.gather [hbm4b:s4+s3], $0x80, v4, vm1, $0xb8;
	[tilespmem:$0x1E200] =	vst v63  }
0x14a: {  	_ = 	snop  }
0x14b: {  	[tilespmem:s8], [sflag:$0x1] =	stream.indirect_vreg.gather [hbm4b:s1+s3], $0x80, v3, vm0, $0xb8;
	[tilespmem:$0x1E200] =	vst v63  }
0x14c: {  	_ = 	snop  }
0x14d: {  	[tilespmem:s9], [sflag:$0x1] =	stream.indirect_vreg.gather [hbm4b:s4+s3], $0x80, v3, vm1, $0xb8;
	[tilespmem:$0x1E200] =	vst v63  }
0x14e: {  	v3 =	vld [tilespmem:$0x190];
	_ =	sdelay $0x4  }
0x14f: {  	v60 =	vshrl.u32 v3, $0x3  }
0x150: {  	v4 =	vmul.u32 $0x18, v60  }
0x151: {  	v3 =	vand.u32 $0x7, v3  }
0x152: {  	v3 =	vor.u32 v3, v4  }
0x153: {  	v4 =	vperm.xlane v3, v0;
	_ =	sdelay $0x1  }
0x154: {  	v4 =	vadd.s32 v1, v4;
	_ =	sdelay $0x1  }
0x155: {  	v3 =	vperm.xlane v3, v2;
	_ =	sdelay $0x1  }
0x156: {  	v3 =	vadd.s32 v1, v3  }
0x157: {  	[tilespmem:s10], [sflag:$0x1] =	stream.indirect_vreg.gather [hbm4b:s1+s3], $0x80, v4, vm0, $0xb8;
	[tilespmem:$0x1E200] =	vst v63  }
0x158: {  	_ = 	snop  }
0x159: {  	[tilespmem:s11], [sflag:$0x1] =	stream.indirect_vreg.gather [hbm4b:s4+s3], $0x80, v4, vm1, $0xb8;
	[tilespmem:$0x1E200] =	vst v63  }
0x15a: {  	_ = 	snop  }
0x15b: {  	[tilespmem:s12], [sflag:$0x1] =	stream.indirect_vreg.gather [hbm4b:s1+s3], $0x80, v3, vm0, $0xb8;
	[tilespmem:$0x1E200] =	vst v63  }
0x15c: {  	_ = 	snop  }
0x15d: {  	[tilespmem:s13], [sflag:$0x1] =	stream.indirect_vreg.gather [hbm4b:s4+s3], $0x80, v3, vm1, $0xb8;
	[tilespmem:$0x1E200] =	vst v63  }
0x15e: {  	v3 =	vld [tilespmem:$0x1A0];
	_ =	sdelay $0x4  }
0x15f: {  	v61 =	vshrl.u32 v3, $0x3  }
0x160: {  	v4 =	vmul.u32 $0x18, v61  }
0x161: {  	v3 =	vand.u32 $0x7, v3  }
0x162: {  	v3 =	vor.u32 v3, v4  }
0x163: {  	v4 =	vperm.xlane v3, v0;
	_ =	sdelay $0x1  }
0x164: {  	v4 =	vadd.s32 v1, v4;
	_ =	sdelay $0x1  }
0x165: {  	v3 =	vperm.xlane v3, v2;
	_ =	sdelay $0x1  }
0x166: {  	v3 =	vadd.s32 v1, v3  }
0x167: {  	[tilespmem:s14], [sflag:$0x1] =	stream.indirect_vreg.gather [hbm4b:s1+s3], $0x80, v4, vm0, $0xb8;
	[tilespmem:$0x1E200] =	vst v63  }
0x168: {  	_ = 	snop  }
0x169: {  	[tilespmem:s15], [sflag:$0x1] =	stream.indirect_vreg.gather [hbm4b:s4+s3], $0x80, v4, vm1, $0xb8;
	[tilespmem:$0x1E200] =	vst v63  }
0x16a: {  	_ = 	snop  }
0x16b: {  	[tilespmem:s16], [sflag:$0x1] =	stream.indirect_vreg.gather [hbm4b:s1+s3], $0x80, v3, vm0, $0xb8;
	[tilespmem:$0x1E200] =	vst v63  }
0x16c: {  	_ = 	snop  }
0x16d: {  	[tilespmem:s17], [sflag:$0x1] =	stream.indirect_vreg.gather [hbm4b:s4+s3], $0x80, v3, vm1, $0xb8;
	[tilespmem:$0x1E200] =	vst v63  }
0x16e: {  	v3 =	vld [tilespmem:$0x1B0];
	_ =	sdelay $0x4  }
0x16f: {  	v62 =	vshrl.u32 v3, $0x3  }
0x170: {  	v4 =	vmul.u32 $0x18, v62  }
0x171: {  	v3 =	vand.u32 $0x7, v3  }
0x172: {  	v3 =	vor.u32 v3, v4  }
0x173: {  	v4 =	vperm.xlane v3, v0;
	_ =	sdelay $0x1  }
0x174: {  	v4 =	vadd.s32 v1, v4;
	_ =	sdelay $0x1  }
0x175: {  	v3 =	vperm.xlane v3, v2;
	_ =	sdelay $0x1  }
0x176: {  	v3 =	vadd.s32 v1, v3  }
0x177: {  	[tilespmem:s18], [sflag:$0x1] =	stream.indirect_vreg.gather [hbm4b:s1+s3], $0x80, v4, vm0, $0xb8;
	[tilespmem:$0x1E200] =	vst v63  }
0x178: {  	_ = 	snop  }
0x179: {  	[tilespmem:s19], [sflag:$0x1] =	stream.indirect_vreg.gather [hbm4b:s4+s3], $0x80, v4, vm1, $0xb8;
	[tilespmem:$0x1E200] =	vst v63  }
0x17a: {  	_ = 	snop  }
0x17b: {  	[tilespmem:s20], [sflag:$0x1] =	stream.indirect_vreg.gather [hbm4b:s1+s3], $0x80, v3, vm0, $0xb8;
	[tilespmem:$0x1E200] =	vst v63  }
0x17c: {  	_ = 	snop  }
0x17d: {  	[tilespmem:s21], [sflag:$0x1] =	stream.indirect_vreg.gather [hbm4b:s4+s3], $0x80, v3, vm1, $0xb8;
	[tilespmem:$0x1E200] =	vst v63  }
0x17e: {  	v3 =	vld [tilespmem:$0x1C0];
	_ =	sdelay $0x4  }
0x17f: {  	v63 =	vshrl.u32 v3, $0x3  }
0x180: {  	v4 =	vmul.u32 $0x18, v63  }
0x181: {  	v3 =	vand.u32 $0x7, v3  }
0x182: {  	v3 =	vor.u32 v3, v4  }
0x183: {  	v4 =	vperm.xlane v3, v0;
	_ =	sdelay $0x1  }
0x184: {  	v4 =	vadd.s32 v1, v4;
	_ =	sdelay $0x1  }
0x185: {  	v3 =	vperm.xlane v3, v2;
	_ =	sdelay $0x1  }
0x186: {  	v3 =	vadd.s32 v1, v3  }
0x187: {  	[tilespmem:s22], [sflag:$0x1] =	stream.indirect_vreg.gather [hbm4b:s1+s3], $0x80, v4, vm0, $0xb8;
	[tilespmem:$0x1E200] =	vst v63  }
0x188: {  	_ = 	snop  }
0x189: {  	[tilespmem:s23], [sflag:$0x1] =	stream.indirect_vreg.gather [hbm4b:s4+s3], $0x80, v4, vm1, $0xb8;
	[tilespmem:$0x1E200] =	vst v63  }
0x18a: {  	_ = 	snop  }
0x18b: {  	[tilespmem:s24], [sflag:$0x1] =	stream.indirect_vreg.gather [hbm4b:s1+s3], $0x80, v3, vm0, $0xb8;
	[tilespmem:$0x1E200] =	vst v63  }
0x18c: {  	_ = 	snop  }
0x18d: {  	[tilespmem:s25], [sflag:$0x1] =	stream.indirect_vreg.gather [hbm4b:s4+s3], $0x80, v3, vm1, $0xb8;
	[tilespmem:$0x1E200] =	vst v63  }
0x18e: {  	_ =	swait.ge [sflag:s26], $0x7800  }
0x18f: {  	[sflag:s26] =	ssyncset.done $0x0  }
0x190: {  	[sflag:s26] =	ssyncadd.s32 $0xFFFF8800  }
0x191: {  	_ =	swait.ge [sflag:s26], $0x7800  }
0x192: {  	[sflag:s26] =	ssyncset.done $0x0  }
0x193: {  	[sflag:s26] =	ssyncadd.s32 $0xFFFF8800  }
0x194: {  	_ =	swait.ge [sflag:s26], $0x7800  }
0x195: {  	[sflag:s26] =	ssyncset.done $0x0  }
0x196: {  	[sflag:s26] =	ssyncadd.s32 $0xFFFF8800  }
0x197: {  	_ =	swait.ge [sflag:s26], $0x7800  }
0x198: {  	s29 =	simm.s32 @p0 $0x0;
	[sflag:s26] =	ssyncset.done $0x0  }
0x199: {  	s30 =	simm.s32 @p0 $0x200;
	s28 =	rddreg [dreg:$0x6];
	[sflag:s26] =	ssyncadd.s32 $0xFFFF8800  }
0x19a: {  	[hbm4b:s28+s29] =	stream.linear.scatter @p0 [tilespmem:s30], [sflag:$0x2], $0x7800, $0x38;
	[tilespmem:$0x1E200] =	vst v63  }
0x19b: {  	s28 =	simm.s32 @p0 $0x2  }
0x19c: {  	s5 =	sadd.s32 $0xFFFFFFFF, s5;
	_ =	swait.ge @p0 [sflag:s28], $0x7800  }
0x19d: {  	p1 =	sne.s32 s5, $0x0;
	s30 =	simm.s32 @!p0 $0x200;
	[sflag:s28] =	ssyncset.done @p0 $0x0  }
0x19e: {  	s29 =	rddreg [dreg:$0x5];
	[sflag:s28] =	ssyncadd.s32 @p0 $0xFFFF8800;
	s28 =	simm.s32 @!p0 $0x0  }
0x19f: {  	[hbm4b:s29+s28] =	stream.linear.scatter @!p0 [tilespmem:s30], [sflag:$0x2], $0x1E000, $0x38;
	[tilespmem:$0x1E200] =	vst v63  }
.Ltmp0:
0x1a0: {  	_ = 	snop;
	(pc) =	sbr.rel @p1 .LBB2_1-.Ltmp0, $4  }
0x1a1: {  	s28 =	simm.s32 @!p0 $0x2  }
0x1a2: {  	_ =	swait.ge @!p0 [sflag:s28], $0x1E000  }
0x1a3: {  	[sflag:s28] =	ssyncset.done @!p0 $0x0  }
0x1a4: {  	[sflag:s28] =	ssyncadd.s32 @!p0 $0xFFFE2000  }
0x1a5: {  	_ =	sfence.sel $0x180000  }
0x1a6: {  	[bflag:$0x0] =	sbarrier.arrive $0xFFFF  }
0x1a7: {  	p0 =	sne.s32 s2, $0x0;
	_ =	strace $0x90000047  }
0x1a8: {  	s0 =	sadd.s32 @!p0 $0x100000, s0;
	[bflag:$0x2] =	sbarrier.arrive $0xFFFF  }
0x1a9: {  	[sflag:s0] =	ssyncadd.tile.s32 @!p0 $0x1;
	_ =	shalt  }
.Lfunc_end2:
_tile_overlayer_lowered:
.L_overlay_start_2:
0x1aa: {  	(tag) =	ssettag $0x2  }
0x1ab: {  	s0 =	rddreg [dreg:$0x0];
	s2 =	stileid.u32  }
0x1ac: {  	s1 =	rddreg [dreg:$0x1];
	p0 =	sne.s32 s2, $0x0  }
0x1ad: {  	s3 =	rddreg [dreg:$0x2];
	[bflag:$0x3] =	sbarrier.arrive $0xFFFF;
	s2 =	simm.s32 @!p0 $0x1C02  }
0x1ae: {  	[timem:s3], [sflag:s2] =	dma.local @!p0 [hbm:s0], s1  }
0x1af: {  	s0 =	simm.s32 @!p0 $0x2  }
0x1b0: {  	_ =	swait.ge @!p0 [sflag:s0], s1  }
0x1b1: {  	s1 =	ssub.s32 @!p0 $0x0, s1;
	[sflag:s0] =	ssyncset.done @!p0 $0x0  }
0x1b2: {  	[sflag:s0] =	ssyncadd.s32 @!p0 s1  }
0x1b3: {  	[bflag:$0x3] =	sbarrier.arrive $0xFFFF  }
0x1b4: {  	_ =	shalt  }

</sc_bundles>
